<compile_context>
chip_gen: v7x
topology: tpu7x:2x2x1
jax: 0.10.2.dev20260603
libtpu: 0.0.44.dev20260713+nightly
codegen_flags: <defaults>
</compile_context>

<pallas_src>
import functools

import jax
import jax.numpy as jnp
from jax.experimental import pallas as pl
from jax.experimental.pallas import tpu as pltpu
from jax.experimental.pallas import tpu_sc as plsc

NT = 2048
D = 8
L = 128
V = 512
RB = 1
NTB = NT // RB
B = NT * D

NC = 2
NS = 16
NW = NC * NS
BPW = B // NW
CH = 128


def _sc_gather_body(table_hbm, idx_hbm, out_hbm, idx_v, rows_v, sem):
    wid = jax.lax.axis_index("s") * NC + jax.lax.axis_index("c")
    base = wid * BPW
    pltpu.sync_copy(idx_hbm.at[pl.ds(base, BPW)], idx_v)
    for ch in range(BPW // CH):
        idx_chunk = idx_v.at[pl.ds(ch * CH, CH)]
        pltpu.async_copy(table_hbm.at[idx_chunk], rows_v, sem).wait()
        pltpu.sync_copy(rows_v, out_hbm.at[pl.ds(base + ch * CH, CH)])


def _sc_gather(table, idx):
    mesh = plsc.VectorSubcoreMesh(core_axis_name="c", subcore_axis_name="s")
    return pl.kernel(
        _sc_gather_body,
        out_type=jax.ShapeDtypeStruct((B, V), jnp.float32),
        mesh=mesh,
        scratch_types=[
            pltpu.VMEM((BPW,), jnp.int32),
            pltpu.VMEM((CH, V), jnp.float32),
            pltpu.SemaphoreType.DMA,
        ],
    )(table, idx)


def _dot_t(a, b):
    return jax.lax.dot_general(a, b, (((1,), (1,)), ((), ())),
                               preferred_element_type=jnp.float32)


def _decode_kernel(emb_ref, z_ref, up_ref, wl_ref, bl_ref, wdw_ref, bdw_ref,
                   whh_ref, bg_ref,
                   labels_out, pp_out, ps_out,
                   h_ref, c_ref):
    it = pl.program_id(0)
    rb = pl.program_id(1)

    @pl.when(it == 0)
    def _():
        h_ref[rb] = z_ref[:]
        c_ref[rb] = jnp.zeros((NTB, L), jnp.float32)

    h_parent = h_ref[rb]
    c_parent = c_ref[rb]

    h_pred = jnp.tanh(_dot_t(h_parent, up_ref[:]))
    logits = _dot_t(h_pred, wl_ref[:]) + bl_ref[:]
    m = jnp.max(logits, axis=1, keepdims=True)
    ex = jnp.exp(logits - m)
    lse = jnp.log(jnp.sum(ex, axis=1, keepdims=True))
    labels_out[0] = logits - m - lse

    pvec = jax.lax.dot_general(wdw_ref[:], h_pred, (((1,), (1,)), ((), ())),
                               preferred_element_type=jnp.float32)
    pp_out[0, 0, :] = jax.nn.sigmoid(pvec[0, :] + bdw_ref[0, 0])
    ps_out[0, 0, :] = jax.nn.sigmoid(pvec[1, :] + bdw_ref[1, 0])

    gates = emb_ref[0] + _dot_t(h_parent, whh_ref[:]) + bg_ref[:]
    i = jax.nn.sigmoid(gates[:, 0 * L:1 * L])
    f = jax.nn.sigmoid(gates[:, 1 * L:2 * L])
    g = jnp.tanh(gates[:, 2 * L:3 * L])
    o = jax.nn.sigmoid(gates[:, 3 * L:4 * L])
    c_new = f * c_parent + i * g
    h_ref[rb] = o * jnp.tanh(c_new)
    c_ref[rb] = c_new


def kernel(z, features, node_order, edge_order, adjacency_list, U_parent,
           U_sibling, W_depth, b_depth, W_width, b_width, W_label, b_label,
           w_offset_parent, w_offset_sibling, Wih_p, Whh_p, bih_p, bhh_p,
           Wih_s, Whh_s, bih_s, bhh_s, *, interpret=False):
    total = features.shape[0]
    feat = features.astype(jnp.int32)
    bl = b_label.reshape(1, V)
    wdw = jnp.concatenate([W_depth, W_width], axis=0)
    bdw = jnp.stack([b_depth, b_width])
    bg = (bih_p + bhh_p).reshape(1, V)

    emb = _sc_gather(Wih_p.T, feat).reshape(D * RB, NTB, V)

    grid = (D, RB)
    out = pl.pallas_call(
        _decode_kernel,
        grid=grid,
        in_specs=[
            pl.BlockSpec((1, NTB, V), lambda it, rb: (it * RB + rb, 0, 0)),
            pl.BlockSpec((NTB, L), lambda it, rb: (rb, 0)),
            pl.BlockSpec((L, L), lambda it, rb: (0, 0)),
            pl.BlockSpec((V, L), lambda it, rb: (0, 0)),
            pl.BlockSpec((1, V), lambda it, rb: (0, 0)),
            pl.BlockSpec((2, L), lambda it, rb: (0, 0)),
            pl.BlockSpec((2, 1), lambda it, rb: (0, 0)),
            pl.BlockSpec((V, L), lambda it, rb: (0, 0)),
            pl.BlockSpec((1, V), lambda it, rb: (0, 0)),
        ],
        out_specs=[
            pl.BlockSpec((1, NTB, V), lambda it, rb: (it * RB + rb, 0, 0)),
            pl.BlockSpec((1, 1, NTB), lambda it, rb: (it * RB + rb, 0, 0)),
            pl.BlockSpec((1, 1, NTB), lambda it, rb: (it * RB + rb, 0, 0)),
        ],
        out_shape=[
            jax.ShapeDtypeStruct((D * RB, NTB, V), jnp.float32),
            jax.ShapeDtypeStruct((D * RB, 1, NTB), jnp.float32),
            jax.ShapeDtypeStruct((D * RB, 1, NTB), jnp.float32),
        ],
        scratch_shapes=[
            pltpu.VMEM((RB, NTB, L), jnp.float32),
            pltpu.VMEM((RB, NTB, L), jnp.float32),
        ],
        compiler_params=pltpu.CompilerParams(
            dimension_semantics=("arbitrary", "arbitrary"),
        ),
        interpret=interpret,
    )(emb, z, U_parent, W_label, bl, wdw, bdw, Whh_p, bg)

    pred_labels = out[0].reshape(total, V)
    pred_is_par = out[1].reshape(total)
    pred_has_sib = out[2].reshape(total)
    labels = features.astype(jnp.float32)
    has_sib_out = jnp.zeros((total,), jnp.float32)
    is_par_out = jnp.where(node_order < D - 1, 1.0, 0.0).astype(jnp.float32)
    return (pred_labels, labels, pred_has_sib, has_sib_out,
            pred_is_par, is_par_out)

# --- scband reference (transcript-rebuilt; emitter-appended) ---
"""Pipeline reference for scband-tree-lstm-decoder-78185584657047 (READ-ONLY COPY).

The authoritative reference and input builder live on the scoring server;
editing this copy changes nothing except your own understanding.
"""

import jax, jax.numpy as jnp
import numpy as np

NUM_TREES = 2048
DEPTH = 8
TOTAL = NUM_TREES * DEPTH
LATENT = 128
VOCAB = 512


def setup_inputs(seed: int = 0):
    key = jax.random.key(seed)
    ks = jax.random.split(key, 24)
    z = jax.random.normal(ks[0], (NUM_TREES, LATENT), dtype=jnp.float32)
    features = jax.random.randint(ks[1], (TOTAL,), 0, VOCAB)
    node_order = jnp.asarray(np.repeat(np.arange(DEPTH), NUM_TREES))
    lv = np.arange(DEPTH - 1)
    par = (lv[:, None] * NUM_TREES + np.arange(NUM_TREES)[None, :]).reshape(-1)
    chi = par + NUM_TREES
    adjacency_list = jnp.asarray(np.stack([par, chi], axis=1))
    edge_order = jnp.asarray(np.repeat(lv, NUM_TREES))

    def lin(k, o, i):
        return (jax.random.normal(k, (o, i), dtype=jnp.float32) / np.sqrt(i)).astype(jnp.float32)

    params = {
        "U_parent": lin(ks[2], LATENT, LATENT),
        "U_sibling": lin(ks[3], LATENT, LATENT),
        "W_depth": lin(ks[4], 1, LATENT),
        "b_depth": jnp.zeros((1,), jnp.float32),
        "W_width": lin(ks[5], 1, LATENT),
        "b_width": jnp.zeros((1,), jnp.float32),
        "W_label": lin(ks[6], VOCAB, LATENT),
        "b_label": jnp.zeros((VOCAB,), jnp.float32),
        "w_offset_parent": lin(ks[7], 1, 1),
        "w_offset_sibling": lin(ks[8], 1, 1),
        "Wih_p": lin(ks[9], 4 * LATENT, VOCAB),
        "Whh_p": lin(ks[10], 4 * LATENT, LATENT),
        "bih_p": jnp.zeros((4 * LATENT,), jnp.float32),
        "bhh_p": jnp.zeros((4 * LATENT,), jnp.float32),
        "Wih_s": lin(ks[11], 4 * LATENT, VOCAB),
        "Whh_s": lin(ks[12], 4 * LATENT, LATENT),
        "bih_s": jnp.zeros((4 * LATENT,), jnp.float32),
        "bhh_s": jnp.zeros((4 * LATENT,), jnp.float32),
    }
    out = {"z": z, "features": features, "node_order": node_order, "edge_order": edge_order, "adjacency_list": adjacency_list}
    out.update(params)
    return out


def _lstm_cell(x, h, c, Wih, Whh, bih, bhh):
    gates = x @ Wih.T + h @ Whh.T + bih + bhh
    i, f, g, o = jnp.split(gates, 4, axis=1)
    i = jax.nn.sigmoid(i)
    f = jax.nn.sigmoid(f)
    g = jnp.tanh(g)
    o = jax.nn.sigmoid(o)
    c2 = f * c + i * g
    return o * jnp.tanh(c2), c2


def reference(z, features, node_order, edge_order, adjacency_list, U_parent, U_sibling, W_depth, b_depth, W_width, b_width, W_label, b_label, w_offset_parent, w_offset_sibling, Wih_p, Whh_p, bih_p, bhh_p, Wih_s, Whh_s, bih_s, bhh_s):
    total = node_order.shape[0]
    vocab = W_label.shape[0]
    latent = U_parent.shape[0]
    depth = total // z.shape[0]
    h_p = jnp.zeros((total, latent), jnp.float32)
    c_p = jnp.zeros((total, latent), jnp.float32)
    h_s = jnp.zeros((total, latent), jnp.float32)
    c_s = jnp.zeros((total, latent), jnp.float32)
    pred_labels = jnp.zeros((total, vocab), jnp.float32)
    labels = jnp.zeros((total,), jnp.float32)
    pred_has_sib = jnp.zeros((total,), jnp.float32)
    has_sib_out = jnp.zeros((total,), jnp.float32)
    pred_is_par = jnp.zeros((total,), jnp.float32)
    is_par_out = jnp.zeros((total,), jnp.float32)
    for it in range(depth):
        if it == 0:
            cur = jnp.arange(z.shape[0])
            h_parent = z
            c_parent = jnp.zeros((z.shape[0], latent), jnp.float32)
        else:
            idx = jnp.nonzero(edge_order == it - 1, size=z.shape[0])[0]
            edges = adjacency_list[idx]
            par = edges[:, 0]
            cur = edges[:, 1]
            h_parent = h_p[par]
            c_parent = c_p[par]
        n = cur.shape[0]
        h_prev_sib = jnp.zeros((n, latent), jnp.float32)
        c_prev_sib = jnp.zeros((n, latent), jnp.float32)
        is_parent = jnp.where(node_order[cur] < depth - 1, 1.0, 0.0)[:, None].astype(jnp.float32)
        has_sibling = jnp.zeros((n, 1), jnp.float32)
        h_pred = jnp.tanh(h_parent @ U_parent.T + h_prev_sib @ U_sibling.T)
        label_pred = h_pred @ W_label.T + b_label
        p_parent = jax.nn.sigmoid(h_pred @ W_depth.T + b_depth)
        p_sibling = jax.nn.sigmoid(h_pred @ W_width.T + b_width)
        predicted_label = jax.nn.log_softmax(label_pred + is_parent * w_offset_parent[0, 0] + has_sibling * w_offset_sibling[0, 0], axis=1)
        lab = features[cur]
        onehot = jax.nn.one_hot(lab, vocab, dtype=jnp.float32)
        h_par2, c_par2 = _lstm_cell(onehot, h_parent, c_parent, Wih_p, Whh_p, bih_p, bhh_p)
        h_sib2, c_sib2 = _lstm_cell(onehot, h_prev_sib, c_prev_sib, Wih_s, Whh_s, bih_s, bhh_s)
        h_p = h_p.at[cur].set(h_par2)
        c_p = c_p.at[cur].set(c_par2)
        h_s = h_s.at[cur].set(h_sib2)
        c_s = c_s.at[cur].set(c_sib2)
        pred_labels = pred_labels.at[cur].set(predicted_label)
        labels = labels.at[cur].set(lab.astype(jnp.float32))
        pred_has_sib = pred_has_sib.at[cur].set(p_sibling[:, 0])
        has_sib_out = has_sib_out.at[cur].set(has_sibling[:, 0])
        pred_is_par = pred_is_par.at[cur].set(p_parent[:, 0])
        is_par_out = is_par_out.at[cur].set(is_parent[:, 0])
    return (pred_labels, labels, pred_has_sib, has_sib_out, pred_is_par, is_par_out)

if __name__ == "__main__":
    import jax
    _d = setup_inputs()
    print(jax.jit(kernel)(*tuple(_d.values())))

</pallas_src>

<mosaic_0001>
#map = affine_map<(d0, d1) -> (0, 0)>
#map1 = affine_map<(d0, d1) -> (0)>
module attributes {stable_mosaic.version = 14 : i64} {
  func.func @_sc_gather_body(%arg0: i32, %arg1: i32, %arg2: memref<512x512xf32, #tpu.memory_space<hbm>>, %arg3: memref<16384xi32, #tpu.memory_space<hbm>>, %arg4: memref<16384x512xf32, #tpu.memory_space<hbm>>, %arg5: memref<512xi32, #tpu.memory_space<vmem>>, %arg6: memref<128x512xf32, #tpu.memory_space<vmem>>, %arg7: memref<!tpu.dma_semaphore, #tpu.memory_space<semaphore_mem>>) attributes {dimension_semantics = [#tpu.dimension_semantics<core_parallel>, #tpu.dimension_semantics<subcore_parallel>], iteration_bounds = array<i64: 2, 16>, scalar_prefetch = 0 : i64, scratch_operands = 3 : i64, tpu.core_type = #tpu.core_type<sc_vector_subcore>, window_params = [{transform_indices = #map}, {transform_indices = #map1}, {transform_indices = #map}]} {
    %mul3A = arith.constant 2 : i32
    %mul3A_0 = arith.muli %arg1, %mul3A : i32
    %add3A = arith.addi %mul3A_0, %arg0 : i32
    %mul3A_1 = arith.constant 512 : i32
    %mul3A_2 = arith.muli %add3A, %mul3A_1 : i32
    "tpu.region"() ({
      %run_scoped3A = tpu.sem_alloc : memref<!tpu.dma_semaphore, #tpu.memory_space<semaphore_mem>>
      %dma_start3A_49 = tpu.memref_slice %arg3[%mul3A_2] : memref<16384xi32, #tpu.memory_space<hbm>> -> memref<512xi32, #tpu.memory_space<hbm>>
      %dma_start3A_50 = tpu.memref_slice %arg3[%mul3A_2] : memref<16384xi32, #tpu.memory_space<hbm>> -> memref<512xi32, #tpu.memory_space<hbm>>
      tpu.enqueue_dma source(%dma_start3A_50 : memref<512xi32, #tpu.memory_space<hbm>>) target(%arg5 : memref<512xi32, #tpu.memory_space<vmem>>) target_semaphore(%run_scoped3A : memref<!tpu.dma_semaphore, #tpu.memory_space<semaphore_mem>>)
      %dma_wait3A_51 = tpu.memref_slice %arg3[%mul3A_2] : memref<16384xi32, #tpu.memory_space<hbm>> -> memref<512xi32, #tpu.memory_space<hbm>>
      %dma_wait3A_52 = tpu.memref_slice %arg3[%mul3A_2] : memref<16384xi32, #tpu.memory_space<hbm>> -> memref<512xi32, #tpu.memory_space<hbm>>
      tpu.wait_dma2 semaphore(%run_scoped3A : memref<!tpu.dma_semaphore, #tpu.memory_space<semaphore_mem>>) src(%dma_wait3A_52 : memref<512xi32, #tpu.memory_space<hbm>>) dst(%arg5 : memref<512xi32, #tpu.memory_space<vmem>>)
      tpu.yield
    }) : () -> ()
    %dma_start3A = arith.constant 0 : i32
    %dma_start3A_3 = tpu.memref_slice %arg5[%dma_start3A] : memref<512xi32, #tpu.memory_space<vmem>> -> memref<128xi32, #tpu.memory_space<vmem>>
    %dma_start3A_4 = arith.constant 0 : i32
    %dma_start3A_5 = arith.constant 0 : i32
    %dma_start3A_6 = tpu.memref_slice %arg2[%dma_start3A_4, %dma_start3A_5] : memref<512x512xf32, #tpu.memory_space<hbm>> -> memref<512x512xf32, #tpu.memory_space<hbm>>
    tpu.enqueue_indirect_dma source(%dma_start3A_6 : memref<512x512xf32, #tpu.memory_space<hbm>>) target(%arg6 : memref<128x512xf32, #tpu.memory_space<vmem>>) offsets(%dma_start3A_3 : memref<128xi32, #tpu.memory_space<vmem>>) semaphore(%arg7 : memref<!tpu.dma_semaphore, #tpu.memory_space<semaphore_mem>>)
    %dma_wait3A = arith.constant 0 : i32
    %dma_wait3A_7 = tpu.memref_slice %arg5[%dma_wait3A] : memref<512xi32, #tpu.memory_space<vmem>> -> memref<128xi32, #tpu.memory_space<vmem>>
    %dma_wait3A_8 = arith.constant 0 : i32
    %dma_wait3A_9 = arith.constant 0 : i32
    %dma_wait3A_10 = tpu.memref_slice %arg2[%dma_wait3A_8, %dma_wait3A_9] : memref<512x512xf32, #tpu.memory_space<hbm>> -> memref<512x512xf32, #tpu.memory_space<hbm>>
    tpu.wait_indirect_dma semaphore(%arg7 : memref<!tpu.dma_semaphore, #tpu.memory_space<semaphore_mem>>) src(%dma_wait3A_10 : memref<512x512xf32, #tpu.memory_space<hbm>>) dst(%arg6 : memref<128x512xf32, #tpu.memory_space<vmem>>)
    %add3A_11 = arith.constant 0 : i32
    %add3A_12 = arith.addi %mul3A_2, %add3A_11 : i32
    "tpu.region"() ({
      %run_scoped3A = tpu.sem_alloc : memref<!tpu.dma_semaphore, #tpu.memory_space<semaphore_mem>>
      %dma_start3A_49 = arith.constant 0 : i32
      %dma_start3A_50 = tpu.memref_slice %arg4[%add3A_12, %dma_start3A_49] : memref<16384x512xf32, #tpu.memory_space<hbm>> -> memref<128x512xf32, #tpu.memory_space<hbm>>
      %dma_start3A_51 = arith.constant 0 : i32
      %dma_start3A_52 = tpu.memref_slice %arg4[%add3A_12, %dma_start3A_51] : memref<16384x512xf32, #tpu.memory_space<hbm>> -> memref<128x512xf32, #tpu.memory_space<hbm>>
      tpu.enqueue_dma source(%arg6 : memref<128x512xf32, #tpu.memory_space<vmem>>) target(%dma_start3A_52 : memref<128x512xf32, #tpu.memory_space<hbm>>) target_semaphore(%run_scoped3A : memref<!tpu.dma_semaphore, #tpu.memory_space<semaphore_mem>>)
      %dma_wait3A_53 = arith.constant 0 : i32
      %dma_wait3A_54 = tpu.memref_slice %arg4[%add3A_12, %dma_wait3A_53] : memref<16384x512xf32, #tpu.memory_space<hbm>> -> memref<128x512xf32, #tpu.memory_space<hbm>>
      %dma_wait3A_55 = arith.constant 0 : i32
      %dma_wait3A_56 = tpu.memref_slice %arg4[%add3A_12, %dma_wait3A_55] : memref<16384x512xf32, #tpu.memory_space<hbm>> -> memref<128x512xf32, #tpu.memory_space<hbm>>
      tpu.wait_dma2 semaphore(%run_scoped3A : memref<!tpu.dma_semaphore, #tpu.memory_space<semaphore_mem>>) src(%arg6 : memref<128x512xf32, #tpu.memory_space<vmem>>) dst(%dma_wait3A_56 : memref<128x512xf32, #tpu.memory_space<hbm>>)
      tpu.yield
    }) : () -> ()
    %dma_start3A_13 = arith.constant 128 : i32
    %dma_start3A_14 = tpu.memref_slice %arg5[%dma_start3A_13] : memref<512xi32, #tpu.memory_space<vmem>> -> memref<128xi32, #tpu.memory_space<vmem>>
    %dma_start3A_15 = arith.constant 0 : i32
    %dma_start3A_16 = arith.constant 0 : i32
    %dma_start3A_17 = tpu.memref_slice %arg2[%dma_start3A_15, %dma_start3A_16] : memref<512x512xf32, #tpu.memory_space<hbm>> -> memref<512x512xf32, #tpu.memory_space<hbm>>
    tpu.enqueue_indirect_dma source(%dma_start3A_17 : memref<512x512xf32, #tpu.memory_space<hbm>>) target(%arg6 : memref<128x512xf32, #tpu.memory_space<vmem>>) offsets(%dma_start3A_14 : memref<128xi32, #tpu.memory_space<vmem>>) semaphore(%arg7 : memref<!tpu.dma_semaphore, #tpu.memory_space<semaphore_mem>>)
    %dma_wait3A_18 = arith.constant 128 : i32
    %dma_wait3A_19 = tpu.memref_slice %arg5[%dma_wait3A_18] : memref<512xi32, #tpu.memory_space<vmem>> -> memref<128xi32, #tpu.memory_space<vmem>>
    %dma_wait3A_20 = arith.constant 0 : i32
    %dma_wait3A_21 = arith.constant 0 : i32
    %dma_wait3A_22 = tpu.memref_slice %arg2[%dma_wait3A_20, %dma_wait3A_21] : memref<512x512xf32, #tpu.memory_space<hbm>> -> memref<512x512xf32, #tpu.memory_space<hbm>>
    tpu.wait_indirect_dma semaphore(%arg7 : memref<!tpu.dma_semaphore, #tpu.memory_space<semaphore_mem>>) src(%dma_wait3A_22 : memref<512x512xf32, #tpu.memory_space<hbm>>) dst(%arg6 : memref<128x512xf32, #tpu.memory_space<vmem>>)
    %add3A_23 = arith.constant 128 : i32
    %add3A_24 = arith.addi %mul3A_2, %add3A_23 : i32
    "tpu.region"() ({
      %run_scoped3A = tpu.sem_alloc : memref<!tpu.dma_semaphore, #tpu.memory_space<semaphore_mem>>
      %dma_start3A_49 = arith.constant 0 : i32
      %dma_start3A_50 = tpu.memref_slice %arg4[%add3A_24, %dma_start3A_49] : memref<16384x512xf32, #tpu.memory_space<hbm>> -> memref<128x512xf32, #tpu.memory_space<hbm>>
      %dma_start3A_51 = arith.constant 0 : i32
      %dma_start3A_52 = tpu.memref_slice %arg4[%add3A_24, %dma_start3A_51] : memref<16384x512xf32, #tpu.memory_space<hbm>> -> memref<128x512xf32, #tpu.memory_space<hbm>>
      tpu.enqueue_dma source(%arg6 : memref<128x512xf32, #tpu.memory_space<vmem>>) target(%dma_start3A_52 : memref<128x512xf32, #tpu.memory_space<hbm>>) target_semaphore(%run_scoped3A : memref<!tpu.dma_semaphore, #tpu.memory_space<semaphore_mem>>)
      %dma_wait3A_53 = arith.constant 0 : i32
      %dma_wait3A_54 = tpu.memref_slice %arg4[%add3A_24, %dma_wait3A_53] : memref<16384x512xf32, #tpu.memory_space<hbm>> -> memref<128x512xf32, #tpu.memory_space<hbm>>
      %dma_wait3A_55 = arith.constant 0 : i32
      %dma_wait3A_56 = tpu.memref_slice %arg4[%add3A_24, %dma_wait3A_55] : memref<16384x512xf32, #tpu.memory_space<hbm>> -> memref<128x512xf32, #tpu.memory_space<hbm>>
      tpu.wait_dma2 semaphore(%run_scoped3A : memref<!tpu.dma_semaphore, #tpu.memory_space<semaphore_mem>>) src(%arg6 : memref<128x512xf32, #tpu.memory_space<vmem>>) dst(%dma_wait3A_56 : memref<128x512xf32, #tpu.memory_space<hbm>>)
      tpu.yield
    }) : () -> ()
    %dma_start3A_25 = arith.constant 256 : i32
    %dma_start3A_26 = tpu.memref_slice %arg5[%dma_start3A_25] : memref<512xi32, #tpu.memory_space<vmem>> -> memref<128xi32, #tpu.memory_space<vmem>>
    %dma_start3A_27 = arith.constant 0 : i32
    %dma_start3A_28 = arith.constant 0 : i32
    %dma_start3A_29 = tpu.memref_slice %arg2[%dma_start3A_27, %dma_start3A_28] : memref<512x512xf32, #tpu.memory_space<hbm>> -> memref<512x512xf32, #tpu.memory_space<hbm>>
    tpu.enqueue_indirect_dma source(%dma_start3A_29 : memref<512x512xf32, #tpu.memory_space<hbm>>) target(%arg6 : memref<128x512xf32, #tpu.memory_space<vmem>>) offsets(%dma_start3A_26 : memref<128xi32, #tpu.memory_space<vmem>>) semaphore(%arg7 : memref<!tpu.dma_semaphore, #tpu.memory_space<semaphore_mem>>)
    %dma_wait3A_30 = arith.constant 256 : i32
    %dma_wait3A_31 = tpu.memref_slice %arg5[%dma_wait3A_30] : memref<512xi32, #tpu.memory_space<vmem>> -> memref<128xi32, #tpu.memory_space<vmem>>
    %dma_wait3A_32 = arith.constant 0 : i32
    %dma_wait3A_33 = arith.constant 0 : i32
    %dma_wait3A_34 = tpu.memref_slice %arg2[%dma_wait3A_32, %dma_wait3A_33] : memref<512x512xf32, #tpu.memory_space<hbm>> -> memref<512x512xf32, #tpu.memory_space<hbm>>
    tpu.wait_indirect_dma semaphore(%arg7 : memref<!tpu.dma_semaphore, #tpu.memory_space<semaphore_mem>>) src(%dma_wait3A_34 : memref<512x512xf32, #tpu.memory_space<hbm>>) dst(%arg6 : memref<128x512xf32, #tpu.memory_space<vmem>>)
    %add3A_35 = arith.constant 256 : i32
    %add3A_36 = arith.addi %mul3A_2, %add3A_35 : i32
    "tpu.region"() ({
      %run_scoped3A = tpu.sem_alloc : memref<!tpu.dma_semaphore, #tpu.memory_space<semaphore_mem>>
      %dma_start3A_49 = arith.constant 0 : i32
      %dma_start3A_50 = tpu.memref_slice %arg4[%add3A_36, %dma_start3A_49] : memref<16384x512xf32, #tpu.memory_space<hbm>> -> memref<128x512xf32, #tpu.memory_space<hbm>>
      %dma_start3A_51 = arith.constant 0 : i32
      %dma_start3A_52 = tpu.memref_slice %arg4[%add3A_36, %dma_start3A_51] : memref<16384x512xf32, #tpu.memory_space<hbm>> -> memref<128x512xf32, #tpu.memory_space<hbm>>
      tpu.enqueue_dma source(%arg6 : memref<128x512xf32, #tpu.memory_space<vmem>>) target(%dma_start3A_52 : memref<128x512xf32, #tpu.memory_space<hbm>>) target_semaphore(%run_scoped3A : memref<!tpu.dma_semaphore, #tpu.memory_space<semaphore_mem>>)
      %dma_wait3A_53 = arith.constant 0 : i32
      %dma_wait3A_54 = tpu.memref_slice %arg4[%add3A_36, %dma_wait3A_53] : memref<16384x512xf32, #tpu.memory_space<hbm>> -> memref<128x512xf32, #tpu.memory_space<hbm>>
      %dma_wait3A_55 = arith.constant 0 : i32
      %dma_wait3A_56 = tpu.memref_slice %arg4[%add3A_36, %dma_wait3A_55] : memref<16384x512xf32, #tpu.memory_space<hbm>> -> memref<128x512xf32, #tpu.memory_space<hbm>>
      tpu.wait_dma2 semaphore(%run_scoped3A : memref<!tpu.dma_semaphore, #tpu.memory_space<semaphore_mem>>) src(%arg6 : memref<128x512xf32, #tpu.memory_space<vmem>>) dst(%dma_wait3A_56 : memref<128x512xf32, #tpu.memory_space<hbm>>)
      tpu.yield
    }) : () -> ()
    %dma_start3A_37 = arith.constant 384 : i32
    %dma_start3A_38 = tpu.memref_slice %arg5[%dma_start3A_37] : memref<512xi32, #tpu.memory_space<vmem>> -> memref<128xi32, #tpu.memory_space<vmem>>
    %dma_start3A_39 = arith.constant 0 : i32
    %dma_start3A_40 = arith.constant 0 : i32
    %dma_start3A_41 = tpu.memref_slice %arg2[%dma_start3A_39, %dma_start3A_40] : memref<512x512xf32, #tpu.memory_space<hbm>> -> memref<512x512xf32, #tpu.memory_space<hbm>>
    tpu.enqueue_indirect_dma source(%dma_start3A_41 : memref<512x512xf32, #tpu.memory_space<hbm>>) target(%arg6 : memref<128x512xf32, #tpu.memory_space<vmem>>) offsets(%dma_start3A_38 : memref<128xi32, #tpu.memory_space<vmem>>) semaphore(%arg7 : memref<!tpu.dma_semaphore, #tpu.memory_space<semaphore_mem>>)
    %dma_wait3A_42 = arith.constant 384 : i32
    %dma_wait3A_43 = tpu.memref_slice %arg5[%dma_wait3A_42] : memref<512xi32, #tpu.memory_space<vmem>> -> memref<128xi32, #tpu.memory_space<vmem>>
    %dma_wait3A_44 = arith.constant 0 : i32
    %dma_wait3A_45 = arith.constant 0 : i32
    %dma_wait3A_46 = tpu.memref_slice %arg2[%dma_wait3A_44, %dma_wait3A_45] : memref<512x512xf32, #tpu.memory_space<hbm>> -> memref<512x512xf32, #tpu.memory_space<hbm>>
    tpu.wait_indirect_dma semaphore(%arg7 : memref<!tpu.dma_semaphore, #tpu.memory_space<semaphore_mem>>) src(%dma_wait3A_46 : memref<512x512xf32, #tpu.memory_space<hbm>>) dst(%arg6 : memref<128x512xf32, #tpu.memory_space<vmem>>)
    %add3A_47 = arith.constant 384 : i32
    %add3A_48 = arith.addi %mul3A_2, %add3A_47 : i32
    "tpu.region"() ({
      %run_scoped3A = tpu.sem_alloc : memref<!tpu.dma_semaphore, #tpu.memory_space<semaphore_mem>>
      %dma_start3A_49 = arith.constant 0 : i32
      %dma_start3A_50 = tpu.memref_slice %arg4[%add3A_48, %dma_start3A_49] : memref<16384x512xf32, #tpu.memory_space<hbm>> -> memref<128x512xf32, #tpu.memory_space<hbm>>
      %dma_start3A_51 = arith.constant 0 : i32
      %dma_start3A_52 = tpu.memref_slice %arg4[%add3A_48, %dma_start3A_51] : memref<16384x512xf32, #tpu.memory_space<hbm>> -> memref<128x512xf32, #tpu.memory_space<hbm>>
      tpu.enqueue_dma source(%arg6 : memref<128x512xf32, #tpu.memory_space<vmem>>) target(%dma_start3A_52 : memref<128x512xf32, #tpu.memory_space<hbm>>) target_semaphore(%run_scoped3A : memref<!tpu.dma_semaphore, #tpu.memory_space<semaphore_mem>>)
      %dma_wait3A_53 = arith.constant 0 : i32
      %dma_wait3A_54 = tpu.memref_slice %arg4[%add3A_48, %dma_wait3A_53] : memref<16384x512xf32, #tpu.memory_space<hbm>> -> memref<128x512xf32, #tpu.memory_space<hbm>>
      %dma_wait3A_55 = arith.constant 0 : i32
      %dma_wait3A_56 = tpu.memref_slice %arg4[%add3A_48, %dma_wait3A_55] : memref<16384x512xf32, #tpu.memory_space<hbm>> -> memref<128x512xf32, #tpu.memory_space<hbm>>
      tpu.wait_dma2 semaphore(%run_scoped3A : memref<!tpu.dma_semaphore, #tpu.memory_space<semaphore_mem>>) src(%arg6 : memref<128x512xf32, #tpu.memory_space<vmem>>) dst(%dma_wait3A_56 : memref<128x512xf32, #tpu.memory_space<hbm>>)
      tpu.yield
    }) : () -> ()
    return
  }
}

module attributes {stable_mosaic.version = 14 : i64} {
  func.func @_decode_kernel(%arg0: i32, %arg1: i32, %arg2: memref<1x2048x512xf32, #tpu.memory_space<vmem>>, %arg3: memref<2048x128xf32, #tpu.memory_space<vmem>>, %arg4: memref<128x128xf32, #tpu.memory_space<vmem>>, %arg5: memref<512x128xf32, #tpu.memory_space<vmem>>, %arg6: memref<1x512xf32, #tpu.memory_space<vmem>>, %arg7: memref<2x128xf32, #tpu.memory_space<vmem>>, %arg8: memref<2x1xf32, #tpu.memory_space<vmem>>, %arg9: memref<512x128xf32, #tpu.memory_space<vmem>>, %arg10: memref<1x512xf32, #tpu.memory_space<vmem>>, %arg11: memref<1x2048x512xf32, #tpu.memory_space<vmem>>, %arg12: memref<1x1x2048xf32, #tpu.memory_space<vmem>>, %arg13: memref<1x1x2048xf32, #tpu.memory_space<vmem>>, %arg14: memref<1x2048x128xf32, #tpu.memory_space<vmem>>, %arg15: memref<1x2048x128xf32, #tpu.memory_space<vmem>>) attributes {dimension_semantics = [#tpu.dimension_semantics<arbitrary>, #tpu.dimension_semantics<arbitrary>], iteration_bounds = array<i64: 8, 1>, scalar_prefetch = 0 : i64, scratch_operands = 2 : i64, tpu.core_type = #tpu.core_type<tc>, window_params = [{transform_indices = @transform_0, window_bounds = array<i64: 1, 2048, 512>}, {transform_indices = @transform_1, window_bounds = array<i64: 2048, 128>}, {pipeline_mode = #tpu.pipeline_mode<synchronous>, transform_indices = @transform_2, window_bounds = array<i64: 128, 128>}, {pipeline_mode = #tpu.pipeline_mode<synchronous>, transform_indices = @transform_3, window_bounds = array<i64: 512, 128>}, {pipeline_mode = #tpu.pipeline_mode<synchronous>, transform_indices = @transform_4, window_bounds = array<i64: 1, 512>}, {pipeline_mode = #tpu.pipeline_mode<synchronous>, transform_indices = @transform_5, window_bounds = array<i64: 2, 128>}, {pipeline_mode = #tpu.pipeline_mode<synchronous>, transform_indices = @transform_6, window_bounds = array<i64: 2, 1>}, {pipeline_mode = #tpu.pipeline_mode<synchronous>, transform_indices = @transform_7, window_bounds = array<i64: 512, 128>}, {pipeline_mode = #tpu.pipeline_mode<synchronous>, transform_indices = @transform_8, window_bounds = array<i64: 1, 512>}, {transform_indices = @transform_9, window_bounds = array<i64: 1, 2048, 512>}, {transform_indices = @transform_10, window_bounds = array<i64: 1, 1, 2048>}, {transform_indices = @transform_11, window_bounds = array<i64: 1, 1, 2048>}]} {
    %eq3A = arith.constant 0 : i32
    %eq3A_0 = arith.cmpi eq, %arg0, %eq3A : i32
    %convert_element_type3A = arith.extui %eq3A_0 : i1 to i32
    %cond3A = arith.constant 0 : i32
    %cond3A_1 = arith.cmpi ne, %convert_element_type3A, %cond3A : i32
    scf.if %cond3A_1 {
      %get3A_134 = arith.constant 0 : index
      %get3A_135 = arith.constant 0 : index
      %get3A_136 = vector.load %arg3[%get3A_134, %get3A_135] : memref<2048x128xf32, #tpu.memory_space<vmem>>, vector<2048x128xf32>
      %swap3A_137 = arith.index_cast %arg1 : i32 to index
      %swap3A_138 = arith.constant 0 : index
      %swap3A_139 = arith.constant 0 : index
      %swap3A_140 = vector.load %arg14[%swap3A_137, %swap3A_138, %swap3A_139] : memref<1x2048x128xf32, #tpu.memory_space<vmem>>, vector<1x2048x128xf32>
      %swap3A_141 = vector.shape_cast %swap3A_140 : vector<1x2048x128xf32> to vector<2048x128xf32>
      %swap3A_142 = vector.shape_cast %get3A_136 : vector<2048x128xf32> to vector<1x2048x128xf32>
      tpu.vector_store %arg14[%swap3A_137, %swap3A_138, %swap3A_139], %swap3A_142 {strides = array<i32>} : memref<1x2048x128xf32, #tpu.memory_space<vmem>>, vector<1x2048x128xf32>,
      %broadcast_in_dim3A_143 = arith.constant 0.000000e+00 : f32
      %broadcast_in_dim3A_144 = vector.broadcast %broadcast_in_dim3A_143 : f32 to vector<2048x128xf32>
      %swap3A_145 = arith.index_cast %arg1 : i32 to index
      %swap3A_146 = arith.constant 0 : index
      %swap3A_147 = arith.constant 0 : index
      %swap3A_148 = vector.load %arg15[%swap3A_145, %swap3A_146, %swap3A_147] : memref<1x2048x128xf32, #tpu.memory_space<vmem>>, vector<1x2048x128xf32>
      %swap3A_149 = vector.shape_cast %swap3A_148 : vector<1x2048x128xf32> to vector<2048x128xf32>
      %swap3A_150 = vector.shape_cast %broadcast_in_dim3A_144 : vector<2048x128xf32> to vector<1x2048x128xf32>
      tpu.vector_store %arg15[%swap3A_145, %swap3A_146, %swap3A_147], %swap3A_150 {strides = array<i32>} : memref<1x2048x128xf32, #tpu.memory_space<vmem>>, vector<1x2048x128xf32>,
    } else {
    }
    %get3A = arith.index_cast %arg1 : i32 to index
    %get3A_2 = arith.constant 0 : index
    %get3A_3 = arith.constant 0 : index
    %get3A_4 = vector.load %arg14[%get3A, %get3A_2, %get3A_3] : memref<1x2048x128xf32, #tpu.memory_space<vmem>>, vector<1x2048x128xf32>
    %get3A_5 = vector.shape_cast %get3A_4 : vector<1x2048x128xf32> to vector<2048x128xf32>
    %get3A_6 = arith.index_cast %arg1 : i32 to index
    %get3A_7 = arith.constant 0 : index
    %get3A_8 = arith.constant 0 : index
    %get3A_9 = vector.load %arg15[%get3A_6, %get3A_7, %get3A_8] : memref<1x2048x128xf32, #tpu.memory_space<vmem>>, vector<1x2048x128xf32>
    %get3A_10 = vector.shape_cast %get3A_9 : vector<1x2048x128xf32> to vector<2048x128xf32>
    %get3A_11 = arith.constant 0 : index
    %get3A_12 = arith.constant 0 : index
    %get3A_13 = vector.load %arg4[%get3A_11, %get3A_12] : memref<128x128xf32, #tpu.memory_space<vmem>>, vector<128x128xf32>
    %dot_general3A = arith.constant dense<0.000000e+00> : vector<2048x128xf32>
    %dot_general3A_14 = tpu.matmul %get3A_5, %get3A_13, %dot_general3A {dimension_numbers = #tpu.dot_dimension_numbers<[1], [1], [0], [0], [0, 0, 1, 0], [], []>, transpose_lhs_hint = false} : vector<2048x128xf32>, vector<128x128xf32>, vector<2048x128xf32> -> vector<2048x128xf32>
    %tanh3A = math.tanh %dot_general3A_14 : vector<2048x128xf32>
    %get3A_15 = arith.constant 0 : index
    %get3A_16 = arith.constant 0 : index
    %get3A_17 = vector.load %arg5[%get3A_15, %get3A_16] : memref<512x128xf32, #tpu.memory_space<vmem>>, vector<512x128xf32>
    %dot_general3A_18 = arith.constant dense<0.000000e+00> : vector<2048x512xf32>
    %dot_general3A_19 = tpu.matmul %tanh3A, %get3A_17, %dot_general3A_18 {dimension_numbers = #tpu.dot_dimension_numbers<[1], [1], [0], [0], [0, 0, 1, 0], [], []>, transpose_lhs_hint = false} : vector<2048x128xf32>, vector<512x128xf32>, vector<2048x512xf32> -> vector<2048x512xf32>
    %get3A_20 = arith.constant 0 : index
    %get3A_21 = arith.constant 0 : index
    %get3A_22 = vector.load %arg6[%get3A_20, %get3A_21] : memref<1x512xf32, #tpu.memory_space<vmem>>, vector<1x512xf32>
    %add3A = vector.broadcast %get3A_22 : vector<1x512xf32> to vector<2048x512xf32>
    %add3A_23 = arith.addf %dot_general3A_19, %add3A : vector<2048x512xf32>
    %reduce_max3A = arith.constant dense<0xFF800000> : vector<2048xf32>
    %reduce_max3A_24 = vector.multi_reduction <maximumf>, %add3A_23, %reduce_max3A [1] : vector<2048x512xf32> to vector<2048xf32>
    %broadcast_in_dim3A = vector.shape_cast %reduce_max3A_24 : vector<2048xf32> to vector<2048x1xf32>
    %sub3A = vector.broadcast %broadcast_in_dim3A : vector<2048x1xf32> to vector<2048x512xf32>
    %sub3A_25 = arith.subf %add3A_23, %sub3A : vector<2048x512xf32>
    %exp3A = math.exp %sub3A_25 : vector<2048x512xf32>
    %reduce_sum3A = arith.constant dense<0.000000e+00> : vector<2048xf32>
    %reduce_sum3A_26 = vector.multi_reduction <add>, %exp3A, %reduce_sum3A [1] : vector<2048x512xf32> to vector<2048xf32>
    %broadcast_in_dim3A_27 = vector.shape_cast %reduce_sum3A_26 : vector<2048xf32> to vector<2048x1xf32>
    %log3A = math.log %broadcast_in_dim3A_27 : vector<2048x1xf32>
    %sub3A_28 = vector.broadcast %broadcast_in_dim3A : vector<2048x1xf32> to vector<2048x512xf32>
    %sub3A_29 = arith.subf %add3A_23, %sub3A_28 : vector<2048x512xf32>
    %sub3A_30 = vector.broadcast %log3A : vector<2048x1xf32> to vector<2048x512xf32>
    %sub3A_31 = arith.subf %sub3A_29, %sub3A_30 : vector<2048x512xf32>
    %swap3A = arith.constant 0 : index
    %swap3A_32 = arith.constant 0 : index
    %swap3A_33 = arith.constant 0 : index
    %swap3A_34 = vector.load %arg11[%swap3A, %swap3A_32, %swap3A_33] : memref<1x2048x512xf32, #tpu.memory_space<vmem>>, vector<1x2048x512xf32>
    %swap3A_35 = vector.shape_cast %swap3A_34 : vector<1x2048x512xf32> to vector<2048x512xf32>
    %swap3A_36 = vector.shape_cast %sub3A_31 : vector<2048x512xf32> to vector<1x2048x512xf32>
    tpu.vector_store %arg11[%swap3A, %swap3A_32, %swap3A_33], %swap3A_36 {strides = array<i32>} : memref<1x2048x512xf32, #tpu.memory_space<vmem>>, vector<1x2048x512xf32>,
    %get3A_37 = arith.constant 0 : index
    %get3A_38 = arith.constant 0 : index
    %get3A_39 = vector.load %arg7[%get3A_37, %get3A_38] : memref<2x128xf32, #tpu.memory_space<vmem>>, vector<2x128xf32>
    %dot_general3A_40 = arith.constant dense<0.000000e+00> : vector<2x2048xf32>
    %dot_general3A_41 = tpu.matmul %get3A_39, %tanh3A, %dot_general3A_40 {dimension_numbers = #tpu.dot_dimension_numbers<[1], [1], [0], [0], [0, 0, 1, 0], [], []>, transpose_lhs_hint = false} : vector<2x128xf32>, vector<2048x128xf32>, vector<2x2048xf32> -> vector<2x2048xf32>
    %slice3A = vector.extract_strided_slice %dot_general3A_41 {offsets = [0, 0], sizes = [1, 2048], strides = [1, 1]} : vector<2x2048xf32> to vector<1x2048xf32>
    %squeeze3A = vector.shape_cast %slice3A : vector<1x2048xf32> to vector<2048xf32>
    %get3A_42 = arith.constant 0 : index
    %get3A_43 = arith.constant 0 : index
    %get3A_44 = vector.load %arg8[%get3A_42, %get3A_43] : memref<2x1xf32, #tpu.memory_space<vmem>>, vector<1x1xf32>
    %get3A_45 = vector.extract %get3A_44[0, 0] : f32 from vector<1x1xf32>
    %add3A_46 = vector.broadcast %get3A_45 : f32 to vector<2048xf32>
    %add3A_47 = arith.addf %squeeze3A, %add3A_46 : vector<2048xf32>
    %logistic3A = arith.negf %add3A_47 : vector<2048xf32>
    %logistic3A_48 = math.exp %logistic3A : vector<2048xf32>
    %logistic3A_49 = arith.constant 1.000000e+00 : f32
    %logistic3A_50 = vector.broadcast %logistic3A_49 : f32 to vector<2048xf32>
    %logistic3A_51 = arith.addf %logistic3A_50, %logistic3A_48 : vector<2048xf32>
    %logistic3A_52 = arith.divf %logistic3A_50, %logistic3A_51 : vector<2048xf32>
    %swap3A_53 = arith.constant 0 : index
    %swap3A_54 = arith.constant 0 : index
    %swap3A_55 = arith.constant 0 : index
    %swap3A_56 = vector.load %arg12[%swap3A_53, %swap3A_54, %swap3A_55] : memref<1x1x2048xf32, #tpu.memory_space<vmem>>, vector<1x1x2048xf32>
    %swap3A_57 = vector.shape_cast %swap3A_56 : vector<1x1x2048xf32> to vector<2048xf32>
    %swap3A_58 = vector.shape_cast %logistic3A_52 : vector<2048xf32> to vector<1x1x2048xf32>
    tpu.vector_store %arg12[%swap3A_53, %swap3A_54, %swap3A_55], %swap3A_58 {strides = array<i32>} : memref<1x1x2048xf32, #tpu.memory_space<vmem>>, vector<1x1x2048xf32>,
    %slice3A_59 = vector.extract_strided_slice %dot_general3A_41 {offsets = [1, 0], sizes = [1, 2048], strides = [1, 1]} : vector<2x2048xf32> to vector<1x2048xf32>
    %squeeze3A_60 = vector.shape_cast %slice3A_59 : vector<1x2048xf32> to vector<2048xf32>
    %get3A_61 = arith.constant 1 : index
    %get3A_62 = arith.constant 0 : index
    %get3A_63 = vector.load %arg8[%get3A_61, %get3A_62] : memref<2x1xf32, #tpu.memory_space<vmem>>, vector<1x1xf32>
    %get3A_64 = vector.extract %get3A_63[0, 0] : f32 from vector<1x1xf32>
    %add3A_65 = vector.broadcast %get3A_64 : f32 to vector<2048xf32>
    %add3A_66 = arith.addf %squeeze3A_60, %add3A_65 : vector<2048xf32>
    %logistic3A_67 = arith.negf %add3A_66 : vector<2048xf32>
    %logistic3A_68 = math.exp %logistic3A_67 : vector<2048xf32>
    %logistic3A_69 = arith.constant 1.000000e+00 : f32
    %logistic3A_70 = vector.broadcast %logistic3A_69 : f32 to vector<2048xf32>
    %logistic3A_71 = arith.addf %logistic3A_70, %logistic3A_68 : vector<2048xf32>
    %logistic3A_72 = arith.divf %logistic3A_70, %logistic3A_71 : vector<2048xf32>
    %swap3A_73 = arith.constant 0 : index
    %swap3A_74 = arith.constant 0 : index
    %swap3A_75 = arith.constant 0 : index
    %swap3A_76 = vector.load %arg13[%swap3A_73, %swap3A_74, %swap3A_75] : memref<1x1x2048xf32, #tpu.memory_space<vmem>>, vector<1x1x2048xf32>
    %swap3A_77 = vector.shape_cast %swap3A_76 : vector<1x1x2048xf32> to vector<2048xf32>
    %swap3A_78 = vector.shape_cast %logistic3A_72 : vector<2048xf32> to vector<1x1x2048xf32>
    tpu.vector_store %arg13[%swap3A_73, %swap3A_74, %swap3A_75], %swap3A_78 {strides = array<i32>} : memref<1x1x2048xf32, #tpu.memory_space<vmem>>, vector<1x1x2048xf32>,
    %get3A_79 = arith.constant 0 : index
    %get3A_80 = arith.constant 0 : index
    %get3A_81 = arith.constant 0 : index
    %get3A_82 = vector.load %arg2[%get3A_79, %get3A_80, %get3A_81] : memref<1x2048x512xf32, #tpu.memory_space<vmem>>, vector<1x2048x512xf32>
    %get3A_83 = vector.shape_cast %get3A_82 : vector<1x2048x512xf32> to vector<2048x512xf32>
    %get3A_84 = arith.constant 0 : index
    %get3A_85 = arith.constant 0 : index
    %get3A_86 = vector.load %arg9[%get3A_84, %get3A_85] : memref<512x128xf32, #tpu.memory_space<vmem>>, vector<512x128xf32>
    %dot_general3A_87 = arith.constant dense<0.000000e+00> : vector<2048x512xf32>
    %dot_general3A_88 = tpu.matmul %get3A_5, %get3A_86, %dot_general3A_87 {dimension_numbers = #tpu.dot_dimension_numbers<[1], [1], [0], [0], [0, 0, 1, 0], [], []>, transpose_lhs_hint = false} : vector<2048x128xf32>, vector<512x128xf32>, vector<2048x512xf32> -> vector<2048x512xf32>
    %add3A_89 = arith.addf %get3A_83, %dot_general3A_88 : vector<2048x512xf32>
    %get3A_90 = arith.constant 0 : index
    %get3A_91 = arith.constant 0 : index
    %get3A_92 = vector.load %arg10[%get3A_90, %get3A_91] : memref<1x512xf32, #tpu.memory_space<vmem>>, vector<1x512xf32>
    %add3A_93 = vector.broadcast %get3A_92 : vector<1x512xf32> to vector<2048x512xf32>
    %add3A_94 = arith.addf %add3A_89, %add3A_93 : vector<2048x512xf32>
    %slice3A_95 = vector.extract_strided_slice %add3A_94 {offsets = [0, 0], sizes = [2048, 128], strides = [1, 1]} : vector<2048x512xf32> to vector<2048x128xf32>
    %logistic3A_96 = arith.negf %slice3A_95 : vector<2048x128xf32>
    %logistic3A_97 = math.exp %logistic3A_96 : vector<2048x128xf32>
    %logistic3A_98 = arith.constant 1.000000e+00 : f32
    %logistic3A_99 = vector.broadcast %logistic3A_98 : f32 to vector<2048x128xf32>
    %logistic3A_100 = arith.addf %logistic3A_99, %logistic3A_97 : vector<2048x128xf32>
    %logistic3A_101 = arith.divf %logistic3A_99, %logistic3A_100 : vector<2048x128xf32>
    %slice3A_102 = vector.extract_strided_slice %add3A_94 {offsets = [0, 128], sizes = [2048, 128], strides = [1, 1]} : vector<2048x512xf32> to vector<2048x128xf32>
    %logistic3A_103 = arith.negf %slice3A_102 : vector<2048x128xf32>
    %logistic3A_104 = math.exp %logistic3A_103 : vector<2048x128xf32>
    %logistic3A_105 = arith.constant 1.000000e+00 : f32
    %logistic3A_106 = vector.broadcast %logistic3A_105 : f32 to vector<2048x128xf32>
    %logistic3A_107 = arith.addf %logistic3A_106, %logistic3A_104 : vector<2048x128xf32>
    %logistic3A_108 = arith.divf %logistic3A_106, %logistic3A_107 : vector<2048x128xf32>
    %slice3A_109 = vector.extract_strided_slice %add3A_94 {offsets = [0, 256], sizes = [2048, 128], strides = [1, 1]} : vector<2048x512xf32> to vector<2048x128xf32>
    %tanh3A_110 = math.tanh %slice3A_109 : vector<2048x128xf32>
    %slice3A_111 = vector.extract_strided_slice %add3A_94 {offsets = [0, 384], sizes = [2048, 128], strides = [1, 1]} : vector<2048x512xf32> to vector<2048x128xf32>
    %logistic3A_112 = arith.negf %slice3A_111 : vector<2048x128xf32>
    %logistic3A_113 = math.exp %logistic3A_112 : vector<2048x128xf32>
    %logistic3A_114 = arith.constant 1.000000e+00 : f32
    %logistic3A_115 = vector.broadcast %logistic3A_114 : f32 to vector<2048x128xf32>
    %logistic3A_116 = arith.addf %logistic3A_115, %logistic3A_113 : vector<2048x128xf32>
    %logistic3A_117 = arith.divf %logistic3A_115, %logistic3A_116 : vector<2048x128xf32>
    %mul3A = arith.mulf %logistic3A_108, %get3A_10 : vector<2048x128xf32>
    %mul3A_118 = arith.mulf %logistic3A_101, %tanh3A_110 : vector<2048x128xf32>
    %add3A_119 = arith.addf %mul3A, %mul3A_118 : vector<2048x128xf32>
    %tanh3A_120 = math.tanh %add3A_119 : vector<2048x128xf32>
    %mul3A_121 = arith.mulf %logistic3A_117, %tanh3A_120 : vector<2048x128xf32>
    %swap3A_122 = arith.index_cast %arg1 : i32 to index
    %swap3A_123 = arith.constant 0 : index
    %swap3A_124 = arith.constant 0 : index
    %swap3A_125 = vector.load %arg14[%swap3A_122, %swap3A_123, %swap3A_124] : memref<1x2048x128xf32, #tpu.memory_space<vmem>>, vector<1x2048x128xf32>
    %swap3A_126 = vector.shape_cast %swap3A_125 : vector<1x2048x128xf32> to vector<2048x128xf32>
    %swap3A_127 = vector.shape_cast %mul3A_121 : vector<2048x128xf32> to vector<1x2048x128xf32>
    tpu.vector_store %arg14[%swap3A_122, %swap3A_123, %swap3A_124], %swap3A_127 {strides = array<i32>} : memref<1x2048x128xf32, #tpu.memory_space<vmem>>, vector<1x2048x128xf32>,
    %swap3A_128 = arith.index_cast %arg1 : i32 to index
    %swap3A_129 = arith.constant 0 : index
    %swap3A_130 = arith.constant 0 : index
    %swap3A_131 = vector.load %arg15[%swap3A_128, %swap3A_129, %swap3A_130] : memref<1x2048x128xf32, #tpu.memory_space<vmem>>, vector<1x2048x128xf32>
    %swap3A_132 = vector.shape_cast %swap3A_131 : vector<1x2048x128xf32> to vector<2048x128xf32>
    %swap3A_133 = vector.shape_cast %add3A_119 : vector<2048x128xf32> to vector<1x2048x128xf32>
    tpu.vector_store %arg15[%swap3A_128, %swap3A_129, %swap3A_130], %swap3A_133 {strides = array<i32>} : memref<1x2048x128xf32, #tpu.memory_space<vmem>>, vector<1x2048x128xf32>,
    return
  }
  func.func @transform_0(%arg0: i32, %arg1: i32) -> (i32, i32, i32) {
    %mul3A = arith.constant 1 : i32
    %mul3A_0 = arith.muli %arg0, %mul3A : i32
    %add3A = arith.addi %mul3A_0, %arg1 : i32
    %c0_i32 = arith.constant 0 : i32
    %c0_i32_1 = arith.constant 0 : i32
    %c0_i32_2 = arith.constant 0 : i32
    return %add3A, %c0_i32, %c0_i32_1 : i32, i32, i32
  }
  func.func @transform_1(%arg0: i32, %arg1: i32) -> (i32, i32) {
    %c0_i32 = arith.constant 0 : i32
    %c0_i32_0 = arith.constant 0 : i32
    return %arg1, %c0_i32 : i32, i32
  }
  func.func @transform_2(%arg0: i32, %arg1: i32) -> (i32, i32) {
    %c0_i32 = arith.constant 0 : i32
    %c0_i32_0 = arith.constant 0 : i32
    %c0_i32_1 = arith.constant 0 : i32
    return %c0_i32, %c0_i32_0 : i32, i32
  }
  func.func @transform_3(%arg0: i32, %arg1: i32) -> (i32, i32) {
    %c0_i32 = arith.constant 0 : i32
    %c0_i32_0 = arith.constant 0 : i32
    %c0_i32_1 = arith.constant 0 : i32
    return %c0_i32, %c0_i32_0 : i32, i32
  }
  func.func @transform_4(%arg0: i32, %arg1: i32) -> (i32, i32) {
    %c0_i32 = arith.constant 0 : i32
    %c0_i32_0 = arith.constant 0 : i32
    %c0_i32_1 = arith.constant 0 : i32
    return %c0_i32, %c0_i32_0 : i32, i32
  }
  func.func @transform_5(%arg0: i32, %arg1: i32) -> (i32, i32) {
    %c0_i32 = arith.constant 0 : i32
    %c0_i32_0 = arith.constant 0 : i32
    %c0_i32_1 = arith.constant 0 : i32
    return %c0_i32, %c0_i32_0 : i32, i32
  }
  func.func @transform_6(%arg0: i32, %arg1: i32) -> (i32, i32) {
    %c0_i32 = arith.constant 0 : i32
    %c0_i32_0 = arith.constant 0 : i32
    %c0_i32_1 = arith.constant 0 : i32
    return %c0_i32, %c0_i32_0 : i32, i32
  }
  func.func @transform_7(%arg0: i32, %arg1: i32) -> (i32, i32) {
    %c0_i32 = arith.constant 0 : i32
    %c0_i32_0 = arith.constant 0 : i32
    %c0_i32_1 = arith.constant 0 : i32
    return %c0_i32, %c0_i32_0 : i32, i32
  }
  func.func @transform_8(%arg0: i32, %arg1: i32) -> (i32, i32) {
    %c0_i32 = arith.constant 0 : i32
    %c0_i32_0 = arith.constant 0 : i32
    %c0_i32_1 = arith.constant 0 : i32
    return %c0_i32, %c0_i32_0 : i32, i32
  }
  func.func @transform_9(%arg0: i32, %arg1: i32) -> (i32, i32, i32) {
    %mul3A = arith.constant 1 : i32
    %mul3A_0 = arith.muli %arg0, %mul3A : i32
    %add3A = arith.addi %mul3A_0, %arg1 : i32
    %c0_i32 = arith.constant 0 : i32
    %c0_i32_1 = arith.constant 0 : i32
    %c0_i32_2 = arith.constant 0 : i32
    return %add3A, %c0_i32, %c0_i32_1 : i32, i32, i32
  }
  func.func @transform_10(%arg0: i32, %arg1: i32) -> (i32, i32, i32) {
    %mul3A = arith.constant 1 : i32
    %mul3A_0 = arith.muli %arg0, %mul3A : i32
    %add3A = arith.addi %mul3A_0, %arg1 : i32
    %c0_i32 = arith.constant 0 : i32
    %c0_i32_1 = arith.constant 0 : i32
    %c0_i32_2 = arith.constant 0 : i32
    return %add3A, %c0_i32, %c0_i32_1 : i32, i32, i32
  }
  func.func @transform_11(%arg0: i32, %arg1: i32) -> (i32, i32, i32) {
    %mul3A = arith.constant 1 : i32
    %mul3A_0 = arith.muli %arg0, %mul3A : i32
    %add3A = arith.addi %mul3A_0, %arg1 : i32
    %c0_i32 = arith.constant 0 : i32
    %c0_i32_1 = arith.constant 0 : i32
    %c0_i32_2 = arith.constant 0 : i32
    return %add3A, %c0_i32, %c0_i32_1 : i32, i32, i32
  }
}

</mosaic_0001>

<sc_bundles>
// kernel: kernel.4.cloned.1.call-start
scs
__scs_entry_jumppad:
0x0: {  	(pc) =	sbr.rel $0x88, $3  }
0x1: {  	(tag) =	ssettag $0x0;
	lr =	simm.s32 $0x1  }
0x2: {  	[smem:$0x3F93] =	sst lr;
	_ =	strace $0xD0000000  }
0x3: {  	_ = 	snop  }
0x4: {  	_ = 	snop  }
0x5: {  	_ = 	snop  }
0x6: {  	_ = 	snop  }
0x7: {  	_ = 	snop  }
__scs_overlays_trampoline_lowered:
0x8: {  	[smem:$0x3FA2] =	sst s0  }
0x9: {  	[smem:$0x3FA3] =	sst s1  }
0xa: {  	[smem:$0x3FA4] =	sst s2  }
0xb: {  	[smem:$0x3FA5] =	sst s3  }
0xc: {  	[smem:$0x3FA6] =	sst s4  }
0xd: {  	[smem:$0x3FA7] =	sst s5  }
0xe: {  	[smem:$0x3FA8] =	sst s6  }
0xf: {  	[smem:$0x3FA9] =	sst s7  }
0x10: {  	[smem:$0x3FAA] =	sst s8  }
0x11: {  	[smem:$0x3FAB] =	sst s9;
	s0 =	simm.s32 @!p0 $0x0  }
0x12: {  	s1 =	sld [smem:$0x3F91];
	s0 =	simm.s32 @p0 $0x1  }
0x13: {  	[smem:$0x3FAC] =	sst s0;
	s0 =	simm.s32 @!p1 $0x0  }
0x14: {  	s2 =	sld [smem:$0x3F90];
	s0 =	simm.s32 @p1 $0x1  }
0x15: {  	[smem:$0x3FAD] =	sst s0;
	s0 =	simm.s32 @!p2 $0x0  }
0x16: {  	s3 =	sld [smem:$0x3FDB];
	s0 =	simm.s32 @p2 $0x1  }
0x17: {  	s4 =	simm.s32 $0x1BF5;
	[smem:$0x3FAF] =	sst s0  }
0x18: {  	s0 =	sld [smem:$0x3F92];
	_ =	swait.ge [sflag:s4], $0x0  }
0x19: {  	s7 =	sld [smem:$0x3F93]  }
0x1a: {  	s8 =	sadd.s32 $0xFFFFE003, lr  }
0x1b: {  	s9 =	sadd.s32 $0xFFFFFEF7, lr;
	s5 =	simm.s32 $0xFFFFFFFF;
	p2 =	slt.u32 s8, $0xFFFFF086  }
0x1c: {  	p1 =	slt.u32 s9, $0xF7A;
	s5 =	simm.s32 @!p2 $0x0  }
0x1d: {  	s5 =	simm.s32 @p1 $0x1;
	p0 =	seq.s32 s7, s2  }
0x1e: {  	s7 =	smul.u32 @!p0 $0xF7A, s2;
	p2 =	seq.s32 @!p0 s5, $0x0  }
0x1f: {  	s9 =	smul.u32 $0xF7A, s1;
	s8 =	simm.s32 @!p0 $0x1BF5;
	p2 =	por !p2, p0  }
0x20: {  	[sflag:s8] =	ssyncset.s32 @!p0 $0xFFFFF086;
	s6 =	sadd.s32 @!p0 s3, s7;
	s7 =	simm.s32 @!p0 $0x108  }
0x21: {  	s3 =	sadd.s32 s3, s9;
	s6 =	sadd.s32 @!p0 $0x88, s6;
	s7 =	simm.s32 @p2 $0x1082  }
0x22: {  	[simem:s7], [sflag:s8] =	dma.local @!p0 [hbm:s6], $0xF7A  }
0x23: {  	s9 =	sor.u32 $0xD0000000, s2;
	s6 =	simm.s32 $0x108;
	_ =	swait.ge @!p0 [sflag:s8], $0x0  }
0x24: {  	s3 =	sadd.s32 $0x88, s3;
	s6 =	simm.s32 @!p1 $0x1082;
	[sflag:s4] =	ssyncset.s32 $0xFFFFF086  }
0x25: {  	[simem:s6], [sflag:s4] =	dma.local [hbm:s3], $0xF7A  }
0x26: {  	[smem:$0x3F93] =	sst s1;
	(tag) =	ssettag s2;
	_ =	strace s9  }
0x27: {  	s1 =	sld [smem:$0x3FA3]  }
0x28: {  	s2 =	sld [smem:$0x3FA4]  }
0x29: {  	s4 =	sld [smem:$0x3FA6]  }
0x2a: {  	p0 =	seq.s32 s5, $0x0;
	s5 =	sld [smem:$0x3FA7]  }
0x2b: {  	s6 =	sld [smem:$0x3FA8]  }
0x2c: {  	s7 =	sld [smem:$0x3FA9]  }
0x2d: {  	s3 =	simm.s32 $0x108;
	s8 =	sld [smem:$0x3FAA]  }
0x2e: {  	s3 =	simm.s32 @!p0 $0x1082;
	s9 =	sld [smem:$0x3FAB]  }
0x2f: {  	lr =	sadd.s32 s0, s3;
	s0 =	sld [smem:$0x3FA2]  }
0x30: {  	s3 =	sld [smem:$0x3FA5]  }
0x31: {  	[smem:$0x3FAE] =	sst s10  }
0x32: {  	s10 =	sld [smem:$0x3FAC];
	_ =	sdelay $0x3  }
0x33: {  	p0 =	seq.s32 s10, $0x1;
	s10 =	sld [smem:$0x3FAE];
	_ =	sdelay $0x3  }
0x34: {  	[smem:$0x3FAE] =	sst s10  }
0x35: {  	s10 =	sld [smem:$0x3FAD];
	_ =	sdelay $0x3  }
0x36: {  	p1 =	seq.s32 s10, $0x1;
	s10 =	sld [smem:$0x3FAE];
	_ =	sdelay $0x3  }
0x37: {  	[smem:$0x3FAE] =	sst s10  }
0x38: {  	s10 =	sld [smem:$0x3FAF]  }
0x39: {  	_ = 	snop;
	(pc) =	sbr.ind lr, $3  }
0x3a: {  	_ = 	snop  }
0x3b: {  	_ = 	snop  }
0x3c: {  	p2 =	seq.s32 s10, $0x1;
	s10 =	sld [smem:$0x3FAE]  }
0x3d: {  	_ =	shalt  }
0x3e: {  	_ =	shalt  }
0x3f: {  	_ =	shalt  }
0x40: {  	_ =	shalt  }
0x41: {  	_ =	shalt  }
0x42: {  	_ =	shalt  }
0x43: {  	_ =	shalt  }
0x44: {  	_ =	shalt  }
0x45: {  	_ =	shalt  }
0x46: {  	_ =	shalt  }
0x47: {  	_ =	shalt  }
0x48: {  	_ =	shalt  }
0x49: {  	_ =	shalt  }
0x4a: {  	_ =	shalt  }
0x4b: {  	_ =	shalt  }
0x4c: {  	_ =	shalt  }
0x4d: {  	_ =	shalt  }
0x4e: {  	_ =	shalt  }
0x4f: {  	_ =	shalt  }
0x50: {  	_ =	shalt  }
0x51: {  	_ =	shalt  }
0x52: {  	_ =	shalt  }
0x53: {  	_ =	shalt  }
0x54: {  	_ =	shalt  }
0x55: {  	_ =	shalt  }
0x56: {  	_ =	shalt  }
0x57: {  	_ =	shalt  }
0x58: {  	_ =	shalt  }
0x59: {  	_ =	shalt  }
0x5a: {  	_ =	shalt  }
0x5b: {  	_ =	shalt  }
0x5c: {  	_ =	shalt  }
0x5d: {  	_ =	shalt  }
0x5e: {  	_ =	shalt  }
0x5f: {  	_ =	shalt  }
0x60: {  	_ =	shalt  }
0x61: {  	_ =	shalt  }
0x62: {  	_ =	shalt  }
0x63: {  	_ =	shalt  }
0x64: {  	_ =	shalt  }
0x65: {  	_ =	shalt  }
0x66: {  	_ =	shalt  }
0x67: {  	_ =	shalt  }
0x68: {  	_ =	shalt  }
0x69: {  	_ =	shalt  }
0x6a: {  	_ =	shalt  }
0x6b: {  	_ =	shalt  }
0x6c: {  	_ =	shalt  }
0x6d: {  	_ =	shalt  }
0x6e: {  	_ =	shalt  }
0x6f: {  	_ =	shalt  }
0x70: {  	_ =	shalt  }
0x71: {  	_ =	shalt  }
0x72: {  	_ =	shalt  }
0x73: {  	_ =	shalt  }
0x74: {  	_ =	shalt  }
0x75: {  	_ =	shalt  }
0x76: {  	_ =	shalt  }
0x77: {  	_ =	shalt  }
0x78: {  	_ =	shalt  }
0x79: {  	_ =	shalt  }
0x7a: {  	_ =	shalt  }
0x7b: {  	_ =	shalt  }
0x7c: {  	_ =	shalt  }
0x7d: {  	_ =	shalt  }
0x7e: {  	_ =	shalt  }
0x7f: {  	_ =	shalt  }
0x80: {  	_ =	shalt  }
0x81: {  	_ =	shalt  }
0x82: {  	_ =	shalt  }
0x83: {  	_ =	shalt  }
0x84: {  	_ =	shalt  }
0x85: {  	_ =	shalt  }
0x86: {  	_ =	shalt  }
0x87: {  	_ =	shalt  }
.Lfunc_end0:
.L_simem_size_0:
called_computation_lowered:
.L_overlay_start_0:
0x88: {  	s2 =	sld [smem:$0x3FD9]  }
0x89: {  	s3 =	sld [smem:$0x3FFE];
	_ =	sdelay $0x1  }
0x8a: {  	s1 =	srdreg.scid  }
0x8b: {  	s0 =	sand.u32 $0x1, s1  }
0x8c: {  	s14 =	sshll.u32 s0, $0xA;
	s2 =	sadd.s32 s3, s2  }
0x8d: {  	s2 =	sadd.s32 s2, s14  }
0x8e: {  	[smem:$0x3FBA] =	sst s2  }
0x8f: {  	_ = 	snop  }
0x90: {  	s2 =	sld [smem:$0x3FD0];
	_ =	sdelay $0x2  }
0x91: {  	s4 =	simm.s32 $0xA;
	s5 =	simm.s32 $0x10;
	s15 =	sld [smem:$0x3FC8]  }
0x92: {  	[smem:s5], [sflag:s4] =	dma.local [hbm:s2], $0x1  }
0x93: {  	_ =	swait.eq [sflag:s4], $0x1  }
0x94: {  	[sflag:s4] =	ssyncset.done $0x0  }
0x95: {  	[sflag:s4] =	ssyncadd.s32 $0xFFFFFFFF  }
0x96: {  	s16 =	sld [smem:$0x10];
	(tm) =	ssettm $0x1  }
0x97: {  	s17 =	sld [smem:$0x3FFB];
	_ =	sdelay $0x3  }
0x98: {  	_ =	strace s17  }
0x99: {  	s4 =	sld [smem:$0x3FFC];
	_ =	sdelay $0x3  }
0x9a: {  	_ =	strace s4  }
0x9b: {  	s4 =	sld [smem:$0x3FFD];
	_ =	sdelay $0x3  }
0x9c: {  	_ =	strace s4  }
0x9d: {  	_ =	strace $0x8FFFFFFF  }
0x9e: {  	s18 =	sld [smem:$0x3FDB];
	_ =	sdelay $0x1  }
0x9f: {  	s19 =	simm.s32 $_scs_section_size  }
0xa0: {  	s6 =	simm.s32 $_size__tile_overlayer_lowered;
	s7 =	simm.s32 $_tile_overlayer_lowered  }
0xa1: {  	s22 =	simm.s32 $0x1BFF;
	s21 =	sshll.u32 s7, $0x1;
	s4 =	sadd.s32 s19, s18  }
0xa2: {  	s8 =	simm.s32 $0x0;
	s20 =	sshll.u32 s6, $0x1;
	s6 =	sadd.s32 s21, s4  }
0xa3: {  	[timem:s8], [sflag:s22] =	dma.local [hbm:s6], s20  }
0xa4: {  	_ =	swait.ge [sflag:s22], s20  }
0xa5: {  	s5 =	ssub.s32 $0x0, s20;
	[sflag:s22] =	ssyncset.done $0x0  }
0xa6: {  	[sflag:s22] =	ssyncadd.s32 s5;
	_ =	sdelay $0x1  }
0xa7: {  	s23 =	simm.s32 $0x1B8B  }
0xa8: {  	_ =	swait.ge [sflag:s23], $0x1  }
0xa9: {  	[sflag:s23] =	ssyncset.done $0x0  }
0xaa: {  	s25 =	simm.s32 $0x1B8E;
	s24 =	sld [smem:$0x3FFE];
	[sflag:s23] =	ssyncadd.s32 $0xFFFFFFFF  }
0xab: {  	s26 =	simm.s32 $execute0_lowered;
	[smem:$0x3FD2] =	sst s25  }
0xac: {  	s6 =	sshll.u32 s26, $0x1;
	_ =	strace $0x80000046;
	[dreg:$0x1] =	wrdreg $0xFFFFFFFF  }
0xad: {  	s28 =	simm.s32 $_size_execute0_lowered;
	s4 =	sadd.s32 s4, s6;
	[dreg:$0x0] =	wrdreg $0x0  }
0xae: {  	s6 =	sshll.u32 s28, $0x1;
	[dreg:$0x2] =	wrdreg s4  }
0xaf: {  	[dreg:$0x3] =	wrdreg s6  }
0xb0: {  	[dreg:$0x4] =	wrdreg $0xC0  }
0xb1: {  	_ =	task [dreg:s8], $0x5FFFF  }
0xb2: {  	[dreg:$0x1] =	wrdreg $0xFFFFFFFF  }
0xb3: {  	[dreg:$0x0] =	wrdreg $0x60  }
0xb4: {  	[dreg:$0x2] =	wrdreg s16  }
0xb5: {  	[dreg:$0x3] =	wrdreg s15  }
0xb6: {  	[dreg:$0x4] =	wrdreg s24  }
0xb7: {  	[dreg:$0x5] =	wrdreg $0x9  }
0xb8: {  	_ =	task.clear_ibuf [dreg:s8], $0x6FFFF;
	_ =	strace $0x90000046  }
0xb9: {  	s29 =	simm.s32 $0x9;
	_ =	strace $0x80000048  }
0xba: {  	_ =	swait.ge [sflag:s29], $0x1  }
0xbb: {  	[sflag:s29] =	ssyncadd.s32 $0xFFFFFFFF  }
0xbc: {  	_ =	strace $0x90000048  }
0xbd: {  	_ =	sfence  }
0xbe: {  	s30 =	sld [smem:$0x0];
	_ =	sdelay $0x2  }
0xbf: {  	s31 =	sshll.u32 s1, $0xD;
	s1 =	sshrl.u32 s1, $0x2  }
0xc0: {  	s3 =	sand.u32 $0x4000, s31;
	s1 =	sadd.s32 s1, s30  }
0xc1: {  	s0 =	sor.u32 s3, s0;
	s1 =	sshll.u32 s1, $0x11  }
0xc2: {  	s0 =	sor.u32 s1, s0  }
0xc3: {  	s0 =	sadd.s32 $0x8F2B, s0  }
0xc4: {  	[sflag:s0] =	ssyncadd.remote.s32 $0x1  }
0xc5: {  	_ =	sfence.sel $0xFFFF  }
0xc6: {  	[dreg:$0x0] =	wrdreg $0xFFFFFFFF;
	(pc) =	sbr.abs _section_cstart, $3  }
0xc7: {  	[dreg:$0x1] =	wrdreg $0xFFFFFFFF  }
0xc8: {  	_ =	task.clear_ibuf [dreg:s8], $0x2FFFF;
	_ =	strace $0x9FFFFFFF  }
0xc9: {  	(tm) =	ssettm $0x7FFFFFFF  }
tec
execute0_lowered:
.L_overlay_start_1:
0x0: {  	(tag) =	ssettag $0x1  }
0x1: {  	s1 =	rddreg [dreg:$0x0]  }
0x2: {  	s0 =	srdreg.scid;
	s2 =	rddreg [dreg:$0x1]  }
0x3: {  	s3 =	stileid.u32;
	s4 =	rddreg [dreg:$0x2];
	s0 =	sand.u32 $0x1, s0  }
0x4: {  	s25 =	simm.s32 $0x200;
	s5 =	sshll.u32 s3, $0xA;
	s6 =	sshll.u32 s0, $0x9  }
0x5: {  	s14 =	simm.s32 $0x1;
	s3 =	simm.s32 $0x0;
	s5 =	sor.u32 s6, s5  }
0x6: {  	[smem:$0x7FF] =	sst s3;
	s6 =	sshll.u32 s5, $0x6;
	s5 =	sshrl.u32 s5, $0x3  }
0x7: {  	s0 =	ssub.s32 $0x2, s0;
	s6 =	sadd.s32 s6, s4;
	s2 =	sadd.s32 s2, s5  }
0x8: {  	_ =	strace $0x80000047;
	[dreg:$0x4] =	wrdreg s2;
	s26 =	sadd.s32 $0x1C00, s6  }
0x9: {  	s28 =	sshrl.u32 s0, $0x1;
	s29 =	sadd.s32 $0x3C00, s6;
	[dreg:$0x5] =	wrdreg s26  }
0xa: {  	v2 =	vlaneseq.u32;
	s0 =	ssub.s32 s0, s28;
	s30 =	sadd.s32 $0x5C00, s6;
	[dreg:$0x6] =	wrdreg s29  }
0xb: {  	vm0 =	vmmov $0xffff;
	v1 =	vshrl.u32 v2, $0x3;
	s4 =	sadd.s32 $0x100, s1;
	s31 =	sadd.s32 $0x7C00, s6;
	[dreg:$0x7] =	wrdreg s30  }
0xc: {  	v0 =	vand.u32 $0x7, v2;
	v2 =	vor.u32 $0x8, v2;
	v1 =	vmul.u32 $0x8, v1;
	s5 =	smax.u32 s0, $0x1;
	s6 =	simm.s32 $0x2;
	[dreg:$0x8] =	wrdreg s31  }
.LBB2_1:
0xd: {  	s15 =	rddreg [dreg:$0x4]  }
0xe: {  	[tilespmem:s3], [sflag:$0x2] =	stream.linear.gather [hbm4b:s15+s3], $0x200, $0x38;
	[tilespmem:$0x10200] =	vst v63  }
0xf: {  	_ =	swait.ge [sflag:s6], $0x200  }
0x10: {  	[sflag:s6] =	ssyncset.done $0x0  }
0x11: {  	[sflag:s6] =	ssyncadd.s32 $0xFFFFFE00  }
0x12: {  	v3 =	vld [tilespmem:$0x0];
	_ =	sdelay $0x4  }
0x13: {  	v4 =	vshll.u32 v3, $0x2  }
0x14: {  	v3 =	vand.u32 $0x7, v3;
	v4 =	vand.u32 $0xFFFFFFE0, v4  }
0x15: {  	v3 =	vor.u32 v3, v4  }
0x16: {  	v4 =	vperm.xlane v3, v0;
	_ =	sdelay $0x1  }
0x17: {  	v4 =	vadd.s32 v1, v4;
	_ =	sdelay $0x1  }
0x18: {  	v3 =	vperm.xlane v3, v2;
	_ =	sdelay $0x1  }
0x19: {  	v3 =	vadd.s32 v1, v3  }
0x1a: {  	[tilespmem:s25], [sflag:$0x1] =	stream.indirect_vreg.gather [hbm4b:s1+s3], $0x80, v4, vm0, $0xb8;
	[tilespmem:$0x10200] =	vst v63  }
0x1b: {  	s0 =	simm.s32 $0xA00  }
0x1c: {  	[tilespmem:s0], [sflag:$0x1] =	stream.indirect_vreg.gather [hbm4b:s4+s3], $0x80, v4, vm0, $0xb8;
	[tilespmem:$0x10200] =	vst v63  }
0x1d: {  	s7 =	simm.s32 $0x1200  }
0x1e: {  	[tilespmem:s7], [sflag:$0x1] =	stream.indirect_vreg.gather [hbm4b:s1+s3], $0x80, v3, vm0, $0xb8;
	[tilespmem:$0x10200] =	vst v63  }
0x1f: {  	s8 =	simm.s32 $0x1A00  }
0x20: {  	[tilespmem:s8], [sflag:$0x1] =	stream.indirect_vreg.gather [hbm4b:s4+s3], $0x80, v3, vm0, $0xb8;
	[tilespmem:$0x10200] =	vst v63  }
0x21: {  	v3 =	vld [tilespmem:$0x10];
	_ =	sdelay $0x4  }
0x22: {  	v33 =	vshll.u32 v3, $0x2  }
0x23: {  	v3 =	vand.u32 $0x7, v3;
	v4 =	vand.u32 $0xFFFFFFE0, v33  }
0x24: {  	v3 =	vor.u32 v3, v4  }
0x25: {  	v4 =	vperm.xlane v3, v0;
	_ =	sdelay $0x1  }
0x26: {  	v4 =	vadd.s32 v1, v4;
	_ =	sdelay $0x1  }
0x27: {  	v3 =	vperm.xlane v3, v2;
	_ =	sdelay $0x1  }
0x28: {  	s9 =	simm.s32 $0x2200;
	v3 =	vadd.s32 v1, v3  }
0x29: {  	[tilespmem:s9], [sflag:$0x1] =	stream.indirect_vreg.gather [hbm4b:s1+s3], $0x80, v4, vm0, $0xb8;
	[tilespmem:$0x10200] =	vst v63  }
0x2a: {  	s10 =	simm.s32 $0x2A00  }
0x2b: {  	[tilespmem:s10], [sflag:$0x1] =	stream.indirect_vreg.gather [hbm4b:s4+s3], $0x80, v4, vm0, $0xb8;
	[tilespmem:$0x10200] =	vst v63  }
0x2c: {  	s11 =	simm.s32 $0x3200  }
0x2d: {  	[tilespmem:s11], [sflag:$0x1] =	stream.indirect_vreg.gather [hbm4b:s1+s3], $0x80, v3, vm0, $0xb8;
	[tilespmem:$0x10200] =	vst v63  }
0x2e: {  	s12 =	simm.s32 $0x3A00  }
0x2f: {  	[tilespmem:s12], [sflag:$0x1] =	stream.indirect_vreg.gather [hbm4b:s4+s3], $0x80, v3, vm0, $0xb8;
	[tilespmem:$0x10200] =	vst v63  }
0x30: {  	v3 =	vld [tilespmem:$0x20];
	_ =	sdelay $0x4  }
0x31: {  	v34 =	vshll.u32 v3, $0x2  }
0x32: {  	v3 =	vand.u32 $0x7, v3;
	v4 =	vand.u32 $0xFFFFFFE0, v34  }
0x33: {  	v3 =	vor.u32 v3, v4  }
0x34: {  	v4 =	vperm.xlane v3, v0;
	_ =	sdelay $0x1  }
0x35: {  	v4 =	vadd.s32 v1, v4;
	_ =	sdelay $0x1  }
0x36: {  	v3 =	vperm.xlane v3, v2;
	_ =	sdelay $0x1  }
0x37: {  	s13 =	simm.s32 $0x4200;
	v3 =	vadd.s32 v1, v3  }
0x38: {  	[tilespmem:s13], [sflag:$0x1] =	stream.indirect_vreg.gather [hbm4b:s1+s3], $0x80, v4, vm0, $0xb8;
	[tilespmem:$0x10200] =	vst v63  }
0x39: {  	s15 =	simm.s32 $0x4A00  }
0x3a: {  	[tilespmem:s15], [sflag:$0x1] =	stream.indirect_vreg.gather [hbm4b:s4+s3], $0x80, v4, vm0, $0xb8;
	[tilespmem:$0x10200] =	vst v63  }
0x3b: {  	s16 =	simm.s32 $0x5200  }
0x3c: {  	[tilespmem:s16], [sflag:$0x1] =	stream.indirect_vreg.gather [hbm4b:s1+s3], $0x80, v3, vm0, $0xb8;
	[tilespmem:$0x10200] =	vst v63  }
0x3d: {  	s17 =	simm.s32 $0x5A00  }
0x3e: {  	[tilespmem:s17], [sflag:$0x1] =	stream.indirect_vreg.gather [hbm4b:s4+s3], $0x80, v3, vm0, $0xb8;
	[tilespmem:$0x10200] =	vst v63  }
0x3f: {  	v3 =	vld [tilespmem:$0x30];
	_ =	sdelay $0x4  }
0x40: {  	v35 =	vshll.u32 v3, $0x2  }
0x41: {  	v3 =	vand.u32 $0x7, v3;
	v4 =	vand.u32 $0xFFFFFFE0, v35  }
0x42: {  	v3 =	vor.u32 v3, v4  }
0x43: {  	v4 =	vperm.xlane v3, v0;
	_ =	sdelay $0x1  }
0x44: {  	v4 =	vadd.s32 v1, v4;
	_ =	sdelay $0x1  }
0x45: {  	v3 =	vperm.xlane v3, v2;
	_ =	sdelay $0x1  }
0x46: {  	s18 =	simm.s32 $0x6200;
	v3 =	vadd.s32 v1, v3  }
0x47: {  	[tilespmem:s18], [sflag:$0x1] =	stream.indirect_vreg.gather [hbm4b:s1+s3], $0x80, v4, vm0, $0xb8;
	[tilespmem:$0x10200] =	vst v63  }
0x48: {  	s19 =	simm.s32 $0x6A00  }
0x49: {  	[tilespmem:s19], [sflag:$0x1] =	stream.indirect_vreg.gather [hbm4b:s4+s3], $0x80, v4, vm0, $0xb8;
	[tilespmem:$0x10200] =	vst v63  }
0x4a: {  	s20 =	simm.s32 $0x7200  }
0x4b: {  	[tilespmem:s20], [sflag:$0x1] =	stream.indirect_vreg.gather [hbm4b:s1+s3], $0x80, v3, vm0, $0xb8;
	[tilespmem:$0x10200] =	vst v63  }
0x4c: {  	s21 =	simm.s32 $0x7A00  }
0x4d: {  	[tilespmem:s21], [sflag:$0x1] =	stream.indirect_vreg.gather [hbm4b:s4+s3], $0x80, v3, vm0, $0xb8;
	[tilespmem:$0x10200] =	vst v63  }
0x4e: {  	v3 =	vld [tilespmem:$0x40];
	_ =	sdelay $0x4  }
0x4f: {  	v36 =	vshll.u32 v3, $0x2  }
0x50: {  	v3 =	vand.u32 $0x7, v3;
	v4 =	vand.u32 $0xFFFFFFE0, v36  }
0x51: {  	v3 =	vor.u32 v3, v4  }
0x52: {  	v4 =	vperm.xlane v3, v0;
	_ =	sdelay $0x1  }
0x53: {  	v4 =	vadd.s32 v1, v4;
	_ =	sdelay $0x1  }
0x54: {  	v3 =	vperm.xlane v3, v2;
	_ =	sdelay $0x1  }
0x55: {  	s22 =	simm.s32 $0x8200;
	v3 =	vadd.s32 v1, v3  }
0x56: {  	[tilespmem:s22], [sflag:$0x1] =	stream.indirect_vreg.gather [hbm4b:s1+s3], $0x80, v4, vm0, $0xb8;
	[tilespmem:$0x10200] =	vst v63  }
0x57: {  	s23 =	simm.s32 $0x8A00  }
0x58: {  	[tilespmem:s23], [sflag:$0x1] =	stream.indirect_vreg.gather [hbm4b:s4+s3], $0x80, v4, vm0, $0xb8;
	[tilespmem:$0x10200] =	vst v63  }
0x59: {  	s24 =	simm.s32 $0x9200  }
0x5a: {  	[tilespmem:s24], [sflag:$0x1] =	stream.indirect_vreg.gather [hbm4b:s1+s3], $0x80, v3, vm0, $0xb8;
	[tilespmem:$0x10200] =	vst v63  }
0x5b: {  	s26 =	simm.s32 $0x9A00  }
0x5c: {  	[tilespmem:s26], [sflag:$0x1] =	stream.indirect_vreg.gather [hbm4b:s4+s3], $0x80, v3, vm0, $0xb8;
	[tilespmem:$0x10200] =	vst v63  }
0x5d: {  	v3 =	vld [tilespmem:$0x50];
	_ =	sdelay $0x4  }
0x5e: {  	v37 =	vshll.u32 v3, $0x2  }
0x5f: {  	v3 =	vand.u32 $0x7, v3;
	v4 =	vand.u32 $0xFFFFFFE0, v37  }
0x60: {  	v3 =	vor.u32 v3, v4  }
0x61: {  	v4 =	vperm.xlane v3, v0;
	_ =	sdelay $0x1  }
0x62: {  	v4 =	vadd.s32 v1, v4;
	_ =	sdelay $0x1  }
0x63: {  	v3 =	vperm.xlane v3, v2;
	_ =	sdelay $0x1  }
0x64: {  	s28 =	simm.s32 $0xA200;
	v3 =	vadd.s32 v1, v3  }
0x65: {  	[tilespmem:s28], [sflag:$0x1] =	stream.indirect_vreg.gather [hbm4b:s1+s3], $0x80, v4, vm0, $0xb8;
	[tilespmem:$0x10200] =	vst v63  }
0x66: {  	s29 =	simm.s32 $0xAA00  }
0x67: {  	[tilespmem:s29], [sflag:$0x1] =	stream.indirect_vreg.gather [hbm4b:s4+s3], $0x80, v4, vm0, $0xb8;
	[tilespmem:$0x10200] =	vst v63  }
0x68: {  	s30 =	simm.s32 $0xB200  }
0x69: {  	[tilespmem:s30], [sflag:$0x1] =	stream.indirect_vreg.gather [hbm4b:s1+s3], $0x80, v3, vm0, $0xb8;
	[tilespmem:$0x10200] =	vst v63  }
0x6a: {  	s31 =	simm.s32 $0xBA00  }
0x6b: {  	[tilespmem:s31], [sflag:$0x1] =	stream.indirect_vreg.gather [hbm4b:s4+s3], $0x80, v3, vm0, $0xb8;
	[tilespmem:$0x10200] =	vst v63  }
0x6c: {  	v3 =	vld [tilespmem:$0x60];
	_ =	sdelay $0x4  }
0x6d: {  	v38 =	vshll.u32 v3, $0x2  }
0x6e: {  	v3 =	vand.u32 $0x7, v3;
	v4 =	vand.u32 $0xFFFFFFE0, v38  }
0x6f: {  	v3 =	vor.u32 v3, v4  }
0x70: {  	v4 =	vperm.xlane v3, v0;
	_ =	sdelay $0x1  }
0x71: {  	v4 =	vadd.s32 v1, v4;
	_ =	sdelay $0x1  }
0x72: {  	v3 =	vperm.xlane v3, v2;
	_ =	sdelay $0x1  }
0x73: {  	s13 =	simm.s32 $0xC200;
	v3 =	vadd.s32 v1, v3  }
0x74: {  	[tilespmem:s13], [sflag:$0x1] =	stream.indirect_vreg.gather [hbm4b:s1+s3], $0x80, v4, vm0, $0xb8;
	[tilespmem:$0x10200] =	vst v63  }
0x75: {  	s16 =	simm.s32 $0xCA00  }
0x76: {  	[tilespmem:s16], [sflag:$0x1] =	stream.indirect_vreg.gather [hbm4b:s4+s3], $0x80, v4, vm0, $0xb8;
	[tilespmem:$0x10200] =	vst v63  }
0x77: {  	s17 =	simm.s32 $0xD200  }
0x78: {  	[tilespmem:s17], [sflag:$0x1] =	stream.indirect_vreg.gather [hbm4b:s1+s3], $0x80, v3, vm0, $0xb8;
	[tilespmem:$0x10200] =	vst v63  }
0x79: {  	s18 =	simm.s32 $0xDA00  }
0x7a: {  	[tilespmem:s18], [sflag:$0x1] =	stream.indirect_vreg.gather [hbm4b:s4+s3], $0x80, v3, vm0, $0xb8;
	[tilespmem:$0x10200] =	vst v63  }
0x7b: {  	v3 =	vld [tilespmem:$0x70];
	_ =	sdelay $0x4  }
0x7c: {  	v39 =	vshll.u32 v3, $0x2  }
0x7d: {  	v3 =	vand.u32 $0x7, v3;
	v4 =	vand.u32 $0xFFFFFFE0, v39  }
0x7e: {  	v3 =	vor.u32 v3, v4  }
0x7f: {  	v4 =	vperm.xlane v3, v0;
	_ =	sdelay $0x1  }
0x80: {  	v4 =	vadd.s32 v1, v4;
	_ =	sdelay $0x1  }
0x81: {  	v3 =	vperm.xlane v3, v2;
	_ =	sdelay $0x1  }
0x82: {  	s19 =	simm.s32 $0xE200;
	v3 =	vadd.s32 v1, v3  }
0x83: {  	[tilespmem:s19], [sflag:$0x1] =	stream.indirect_vreg.gather [hbm4b:s1+s3], $0x80, v4, vm0, $0xb8;
	[tilespmem:$0x10200] =	vst v63  }
0x84: {  	s20 =	simm.s32 $0xEA00  }
0x85: {  	[tilespmem:s20], [sflag:$0x1] =	stream.indirect_vreg.gather [hbm4b:s4+s3], $0x80, v4, vm0, $0xb8;
	[tilespmem:$0x10200] =	vst v63  }
0x86: {  	s21 =	simm.s32 $0xF200  }
0x87: {  	[tilespmem:s21], [sflag:$0x1] =	stream.indirect_vreg.gather [hbm4b:s1+s3], $0x80, v3, vm0, $0xb8;
	[tilespmem:$0x10200] =	vst v63  }
0x88: {  	s24 =	simm.s32 $0xFA00  }
0x89: {  	[tilespmem:s24], [sflag:$0x1] =	stream.indirect_vreg.gather [hbm4b:s4+s3], $0x80, v3, vm0, $0xb8;
	[tilespmem:$0x10200] =	vst v63  }
0x8a: {  	_ =	swait.ge [sflag:s14], $0x10000  }
0x8b: {  	[sflag:s14] =	ssyncset.done $0x0  }
0x8c: {  	s26 =	rddreg [dreg:$0x5];
	[sflag:s14] =	ssyncadd.s32 $0xFFFF0000  }
0x8d: {  	[hbm4b:s26+s3] =	stream.linear.scatter [tilespmem:s25], [sflag:$0x2], $0x10000, $0x38;
	[tilespmem:$0x10200] =	vst v63  }
0x8e: {  	_ =	swait.ge [sflag:s6], $0x10000  }
0x8f: {  	[sflag:s6] =	ssyncset.done $0x0  }
0x90: {  	[sflag:s6] =	ssyncadd.s32 $0xFFFF0000  }
0x91: {  	v3 =	vld [tilespmem:$0x80];
	_ =	sdelay $0x4  }
0x92: {  	v40 =	vshll.u32 v3, $0x2  }
0x93: {  	v3 =	vand.u32 $0x7, v3;
	v4 =	vand.u32 $0xFFFFFFE0, v40  }
0x94: {  	v3 =	vor.u32 v3, v4  }
0x95: {  	v4 =	vperm.xlane v3, v0;
	_ =	sdelay $0x1  }
0x96: {  	v4 =	vadd.s32 v1, v4;
	_ =	sdelay $0x1  }
0x97: {  	v3 =	vperm.xlane v3, v2;
	_ =	sdelay $0x1  }
0x98: {  	v3 =	vadd.s32 v1, v3  }
0x99: {  	[tilespmem:s25], [sflag:$0x1] =	stream.indirect_vreg.gather [hbm4b:s1+s3], $0x80, v4, vm0, $0xb8;
	[tilespmem:$0x10200] =	vst v63  }
0x9a: {  	s2 =	simm.s32 $0xA00  }
0x9b: {  	[tilespmem:s2], [sflag:$0x1] =	stream.indirect_vreg.gather [hbm4b:s4+s3], $0x80, v4, vm0, $0xb8;
	[tilespmem:$0x10200] =	vst v63  }
0x9c: {  	s7 =	simm.s32 $0x1200  }
0x9d: {  	[tilespmem:s7], [sflag:$0x1] =	stream.indirect_vreg.gather [hbm4b:s1+s3], $0x80, v3, vm0, $0xb8;
	[tilespmem:$0x10200] =	vst v63  }
0x9e: {  	s16 =	simm.s32 $0x1A00  }
0x9f: {  	[tilespmem:s16], [sflag:$0x1] =	stream.indirect_vreg.gather [hbm4b:s4+s3], $0x80, v3, vm0, $0xb8;
	[tilespmem:$0x10200] =	vst v63  }
0xa0: {  	v3 =	vld [tilespmem:$0x90];
	_ =	sdelay $0x4  }
0xa1: {  	v41 =	vshll.u32 v3, $0x2  }
0xa2: {  	v3 =	vand.u32 $0x7, v3;
	v4 =	vand.u32 $0xFFFFFFE0, v41  }
0xa3: {  	v3 =	vor.u32 v3, v4  }
0xa4: {  	v4 =	vperm.xlane v3, v0;
	_ =	sdelay $0x1  }
0xa5: {  	v4 =	vadd.s32 v1, v4;
	_ =	sdelay $0x1  }
0xa6: {  	v3 =	vperm.xlane v3, v2;
	_ =	sdelay $0x1  }
0xa7: {  	s8 =	simm.s32 $0x2200;
	v3 =	vadd.s32 v1, v3  }
0xa8: {  	[tilespmem:s8], [sflag:$0x1] =	stream.indirect_vreg.gather [hbm4b:s1+s3], $0x80, v4, vm0, $0xb8;
	[tilespmem:$0x10200] =	vst v63  }
0xa9: {  	s9 =	simm.s32 $0x2A00  }
0xaa: {  	[tilespmem:s9], [sflag:$0x1] =	stream.indirect_vreg.gather [hbm4b:s4+s3], $0x80, v4, vm0, $0xb8;
	[tilespmem:$0x10200] =	vst v63  }
0xab: {  	s10 =	simm.s32 $0x3200  }
0xac: {  	[tilespmem:s10], [sflag:$0x1] =	stream.indirect_vreg.gather [hbm4b:s1+s3], $0x80, v3, vm0, $0xb8;
	[tilespmem:$0x10200] =	vst v63  }
0xad: {  	s12 =	simm.s32 $0x3A00  }
0xae: {  	[tilespmem:s12], [sflag:$0x1] =	stream.indirect_vreg.gather [hbm4b:s4+s3], $0x80, v3, vm0, $0xb8;
	[tilespmem:$0x10200] =	vst v63  }
0xaf: {  	v3 =	vld [tilespmem:$0xA0];
	_ =	sdelay $0x4  }
0xb0: {  	v42 =	vshll.u32 v3, $0x2  }
0xb1: {  	v3 =	vand.u32 $0x7, v3;
	v4 =	vand.u32 $0xFFFFFFE0, v42  }
0xb2: {  	v3 =	vor.u32 v3, v4  }
0xb3: {  	v4 =	vperm.xlane v3, v0;
	_ =	sdelay $0x1  }
0xb4: {  	v4 =	vadd.s32 v1, v4;
	_ =	sdelay $0x1  }
0xb5: {  	v3 =	vperm.xlane v3, v2;
	_ =	sdelay $0x1  }
0xb6: {  	s11 =	simm.s32 $0x4200;
	v3 =	vadd.s32 v1, v3  }
0xb7: {  	[tilespmem:s11], [sflag:$0x1] =	stream.indirect_vreg.gather [hbm4b:s1+s3], $0x80, v4, vm0, $0xb8;
	[tilespmem:$0x10200] =	vst v63  }
0xb8: {  	s24 =	simm.s32 $0x4A00  }
0xb9: {  	[tilespmem:s24], [sflag:$0x1] =	stream.indirect_vreg.gather [hbm4b:s4+s3], $0x80, v4, vm0, $0xb8;
	[tilespmem:$0x10200] =	vst v63  }
0xba: {  	s12 =	simm.s32 $0x5200  }
0xbb: {  	[tilespmem:s12], [sflag:$0x1] =	stream.indirect_vreg.gather [hbm4b:s1+s3], $0x80, v3, vm0, $0xb8;
	[tilespmem:$0x10200] =	vst v63  }
0xbc: {  	s13 =	simm.s32 $0x5A00  }
0xbd: {  	[tilespmem:s13], [sflag:$0x1] =	stream.indirect_vreg.gather [hbm4b:s4+s3], $0x80, v3, vm0, $0xb8;
	[tilespmem:$0x10200] =	vst v63  }
0xbe: {  	v3 =	vld [tilespmem:$0xB0];
	_ =	sdelay $0x4  }
0xbf: {  	v43 =	vshll.u32 v3, $0x2  }
0xc0: {  	v3 =	vand.u32 $0x7, v3;
	v4 =	vand.u32 $0xFFFFFFE0, v43  }
0xc1: {  	v3 =	vor.u32 v3, v4  }
0xc2: {  	v4 =	vperm.xlane v3, v0;
	_ =	sdelay $0x1  }
0xc3: {  	v4 =	vadd.s32 v1, v4;
	_ =	sdelay $0x1  }
0xc4: {  	v3 =	vperm.xlane v3, v2;
	_ =	sdelay $0x1  }
0xc5: {  	s17 =	simm.s32 $0x6200;
	v3 =	vadd.s32 v1, v3  }
0xc6: {  	[tilespmem:s17], [sflag:$0x1] =	stream.indirect_vreg.gather [hbm4b:s1+s3], $0x80, v4, vm0, $0xb8;
	[tilespmem:$0x10200] =	vst v63  }
0xc7: {  	s18 =	simm.s32 $0x6A00  }
0xc8: {  	[tilespmem:s18], [sflag:$0x1] =	stream.indirect_vreg.gather [hbm4b:s4+s3], $0x80, v4, vm0, $0xb8;
	[tilespmem:$0x10200] =	vst v63  }
0xc9: {  	s19 =	simm.s32 $0x7200  }
0xca: {  	[tilespmem:s19], [sflag:$0x1] =	stream.indirect_vreg.gather [hbm4b:s1+s3], $0x80, v3, vm0, $0xb8;
	[tilespmem:$0x10200] =	vst v63  }
0xcb: {  	s20 =	simm.s32 $0x7A00  }
0xcc: {  	[tilespmem:s20], [sflag:$0x1] =	stream.indirect_vreg.gather [hbm4b:s4+s3], $0x80, v3, vm0, $0xb8;
	[tilespmem:$0x10200] =	vst v63  }
0xcd: {  	v3 =	vld [tilespmem:$0xC0];
	_ =	sdelay $0x4  }
0xce: {  	v44 =	vshll.u32 v3, $0x2  }
0xcf: {  	v3 =	vand.u32 $0x7, v3;
	v4 =	vand.u32 $0xFFFFFFE0, v44  }
0xd0: {  	v3 =	vor.u32 v3, v4  }
0xd1: {  	v4 =	vperm.xlane v3, v0;
	_ =	sdelay $0x1  }
0xd2: {  	v4 =	vadd.s32 v1, v4;
	_ =	sdelay $0x1  }
0xd3: {  	v3 =	vperm.xlane v3, v2;
	_ =	sdelay $0x1  }
0xd4: {  	s2 =	simm.s32 $0x8200;
	v3 =	vadd.s32 v1, v3  }
0xd5: {  	[tilespmem:s2], [sflag:$0x1] =	stream.indirect_vreg.gather [hbm4b:s1+s3], $0x80, v4, vm0, $0xb8;
	[tilespmem:$0x10200] =	vst v63  }
0xd6: {  	s0 =	simm.s32 $0x8A00  }
0xd7: {  	[tilespmem:s0], [sflag:$0x1] =	stream.indirect_vreg.gather [hbm4b:s4+s3], $0x80, v4, vm0, $0xb8;
	[tilespmem:$0x10200] =	vst v63  }
0xd8: {  	s7 =	simm.s32 $0x9200  }
0xd9: {  	[tilespmem:s7], [sflag:$0x1] =	stream.indirect_vreg.gather [hbm4b:s1+s3], $0x80, v3, vm0, $0xb8;
	[tilespmem:$0x10200] =	vst v63  }
0xda: {  	s11 =	simm.s32 $0x9A00  }
0xdb: {  	[tilespmem:s11], [sflag:$0x1] =	stream.indirect_vreg.gather [hbm4b:s4+s3], $0x80, v3, vm0, $0xb8;
	[tilespmem:$0x10200] =	vst v63  }
0xdc: {  	v3 =	vld [tilespmem:$0xD0];
	_ =	sdelay $0x4  }
0xdd: {  	v45 =	vshll.u32 v3, $0x2  }
0xde: {  	v3 =	vand.u32 $0x7, v3;
	v4 =	vand.u32 $0xFFFFFFE0, v45  }
0xdf: {  	v3 =	vor.u32 v3, v4  }
0xe0: {  	v4 =	vperm.xlane v3, v0;
	_ =	sdelay $0x1  }
0xe1: {  	v4 =	vadd.s32 v1, v4;
	_ =	sdelay $0x1  }
0xe2: {  	v3 =	vperm.xlane v3, v2;
	_ =	sdelay $0x1  }
0xe3: {  	s8 =	simm.s32 $0xA200;
	v3 =	vadd.s32 v1, v3  }
0xe4: {  	[tilespmem:s8], [sflag:$0x1] =	stream.indirect_vreg.gather [hbm4b:s1+s3], $0x80, v4, vm0, $0xb8;
	[tilespmem:$0x10200] =	vst v63  }
0xe5: {  	s9 =	simm.s32 $0xAA00  }
0xe6: {  	[tilespmem:s9], [sflag:$0x1] =	stream.indirect_vreg.gather [hbm4b:s4+s3], $0x80, v4, vm0, $0xb8;
	[tilespmem:$0x10200] =	vst v63  }
0xe7: {  	s10 =	simm.s32 $0xB200  }
0xe8: {  	[tilespmem:s10], [sflag:$0x1] =	stream.indirect_vreg.gather [hbm4b:s1+s3], $0x80, v3, vm0, $0xb8;
	[tilespmem:$0x10200] =	vst v63  }
0xe9: {  	s23 =	simm.s32 $0xBA00  }
0xea: {  	[tilespmem:s23], [sflag:$0x1] =	stream.indirect_vreg.gather [hbm4b:s4+s3], $0x80, v3, vm0, $0xb8;
	[tilespmem:$0x10200] =	vst v63  }
0xeb: {  	v3 =	vld [tilespmem:$0xE0];
	_ =	sdelay $0x4  }
0xec: {  	v46 =	vshll.u32 v3, $0x2  }
0xed: {  	v3 =	vand.u32 $0x7, v3;
	v4 =	vand.u32 $0xFFFFFFE0, v46  }
0xee: {  	v3 =	vor.u32 v3, v4  }
0xef: {  	v4 =	vperm.xlane v3, v0;
	_ =	sdelay $0x1  }
0xf0: {  	v4 =	vadd.s32 v1, v4;
	_ =	sdelay $0x1  }
0xf1: {  	v3 =	vperm.xlane v3, v2;
	_ =	sdelay $0x1  }
0xf2: {  	s30 =	simm.s32 $0xC200;
	v3 =	vadd.s32 v1, v3  }
0xf3: {  	[tilespmem:s30], [sflag:$0x1] =	stream.indirect_vreg.gather [hbm4b:s1+s3], $0x80, v4, vm0, $0xb8;
	[tilespmem:$0x10200] =	vst v63  }
0xf4: {  	s28 =	simm.s32 $0xCA00  }
0xf5: {  	[tilespmem:s28], [sflag:$0x1] =	stream.indirect_vreg.gather [hbm4b:s4+s3], $0x80, v4, vm0, $0xb8;
	[tilespmem:$0x10200] =	vst v63  }
0xf6: {  	s29 =	simm.s32 $0xD200  }
0xf7: {  	[tilespmem:s29], [sflag:$0x1] =	stream.indirect_vreg.gather [hbm4b:s1+s3], $0x80, v3, vm0, $0xb8;
	[tilespmem:$0x10200] =	vst v63  }
0xf8: {  	s22 =	simm.s32 $0xDA00  }
0xf9: {  	[tilespmem:s22], [sflag:$0x1] =	stream.indirect_vreg.gather [hbm4b:s4+s3], $0x80, v3, vm0, $0xb8;
	[tilespmem:$0x10200] =	vst v63  }
0xfa: {  	v3 =	vld [tilespmem:$0xF0];
	_ =	sdelay $0x4  }
0xfb: {  	v47 =	vshll.u32 v3, $0x2  }
0xfc: {  	v3 =	vand.u32 $0x7, v3;
	v4 =	vand.u32 $0xFFFFFFE0, v47  }
0xfd: {  	v3 =	vor.u32 v3, v4  }
0xfe: {  	v4 =	vperm.xlane v3, v0;
	_ =	sdelay $0x1  }
0xff: {  	v4 =	vadd.s32 v1, v4;
	_ =	sdelay $0x1  }
0x100: {  	v3 =	vperm.xlane v3, v2;
	_ =	sdelay $0x1  }
0x101: {  	s28 =	simm.s32 $0xE200;
	v3 =	vadd.s32 v1, v3  }
0x102: {  	[tilespmem:s28], [sflag:$0x1] =	stream.indirect_vreg.gather [hbm4b:s1+s3], $0x80, v4, vm0, $0xb8;
	[tilespmem:$0x10200] =	vst v63  }
0x103: {  	s29 =	simm.s32 $0xEA00  }
0x104: {  	[tilespmem:s29], [sflag:$0x1] =	stream.indirect_vreg.gather [hbm4b:s4+s3], $0x80, v4, vm0, $0xb8;
	[tilespmem:$0x10200] =	vst v63  }
0x105: {  	s30 =	simm.s32 $0xF200  }
0x106: {  	[tilespmem:s30], [sflag:$0x1] =	stream.indirect_vreg.gather [hbm4b:s1+s3], $0x80, v3, vm0, $0xb8;
	[tilespmem:$0x10200] =	vst v63  }
0x107: {  	s21 =	simm.s32 $0xFA00  }
0x108: {  	[tilespmem:s21], [sflag:$0x1] =	stream.indirect_vreg.gather [hbm4b:s4+s3], $0x80, v3, vm0, $0xb8;
	[tilespmem:$0x10200] =	vst v63  }
0x109: {  	_ =	swait.ge [sflag:s14], $0x10000  }
0x10a: {  	[sflag:s14] =	ssyncset.done $0x0  }
0x10b: {  	s22 =	rddreg [dreg:$0x6];
	[sflag:s14] =	ssyncadd.s32 $0xFFFF0000  }
0x10c: {  	[hbm4b:s22+s3] =	stream.linear.scatter [tilespmem:s25], [sflag:$0x2], $0x10000, $0x38;
	[tilespmem:$0x10200] =	vst v63  }
0x10d: {  	_ =	swait.ge [sflag:s6], $0x10000  }
0x10e: {  	[sflag:s6] =	ssyncset.done $0x0  }
0x10f: {  	[sflag:s6] =	ssyncadd.s32 $0xFFFF0000  }
0x110: {  	v3 =	vld [tilespmem:$0x100];
	_ =	sdelay $0x4  }
0x111: {  	v48 =	vshll.u32 v3, $0x2  }
0x112: {  	v3 =	vand.u32 $0x7, v3;
	v4 =	vand.u32 $0xFFFFFFE0, v48  }
0x113: {  	v3 =	vor.u32 v3, v4  }
0x114: {  	v4 =	vperm.xlane v3, v0;
	_ =	sdelay $0x1  }
0x115: {  	v4 =	vadd.s32 v1, v4;
	_ =	sdelay $0x1  }
0x116: {  	v3 =	vperm.xlane v3, v2;
	_ =	sdelay $0x1  }
0x117: {  	v3 =	vadd.s32 v1, v3  }
0x118: {  	[tilespmem:s25], [sflag:$0x1] =	stream.indirect_vreg.gather [hbm4b:s1+s3], $0x80, v4, vm0, $0xb8;
	[tilespmem:$0x10200] =	vst v63  }
0x119: {  	s26 =	simm.s32 $0xA00  }
0x11a: {  	[tilespmem:s26], [sflag:$0x1] =	stream.indirect_vreg.gather [hbm4b:s4+s3], $0x80, v4, vm0, $0xb8;
	[tilespmem:$0x10200] =	vst v63  }
0x11b: {  	s26 =	simm.s32 $0x1200  }
0x11c: {  	[tilespmem:s26], [sflag:$0x1] =	stream.indirect_vreg.gather [hbm4b:s1+s3], $0x80, v3, vm0, $0xb8;
	[tilespmem:$0x10200] =	vst v63  }
0x11d: {  	_ = 	snop  }
0x11e: {  	[tilespmem:s16], [sflag:$0x1] =	stream.indirect_vreg.gather [hbm4b:s4+s3], $0x80, v3, vm0, $0xb8;
	[tilespmem:$0x10200] =	vst v63  }
0x11f: {  	v3 =	vld [tilespmem:$0x110];
	_ =	sdelay $0x4  }
0x120: {  	v49 =	vshll.u32 v3, $0x2  }
0x121: {  	v3 =	vand.u32 $0x7, v3;
	v4 =	vand.u32 $0xFFFFFFE0, v49  }
0x122: {  	v3 =	vor.u32 v3, v4  }
0x123: {  	v4 =	vperm.xlane v3, v0;
	_ =	sdelay $0x1  }
0x124: {  	v4 =	vadd.s32 v1, v4;
	_ =	sdelay $0x1  }
0x125: {  	v3 =	vperm.xlane v3, v2;
	_ =	sdelay $0x1  }
0x126: {  	s16 =	simm.s32 $0x2200;
	v3 =	vadd.s32 v1, v3  }
0x127: {  	[tilespmem:s16], [sflag:$0x1] =	stream.indirect_vreg.gather [hbm4b:s1+s3], $0x80, v4, vm0, $0xb8;
	[tilespmem:$0x10200] =	vst v63  }
0x128: {  	s26 =	simm.s32 $0x2A00  }
0x129: {  	[tilespmem:s26], [sflag:$0x1] =	stream.indirect_vreg.gather [hbm4b:s4+s3], $0x80, v4, vm0, $0xb8;
	[tilespmem:$0x10200] =	vst v63  }
0x12a: {  	s16 =	simm.s32 $0x3200  }
0x12b: {  	[tilespmem:s16], [sflag:$0x1] =	stream.indirect_vreg.gather [hbm4b:s1+s3], $0x80, v3, vm0, $0xb8;
	[tilespmem:$0x10200] =	vst v63  }
0x12c: {  	s26 =	simm.s32 $0x3A00  }
0x12d: {  	[tilespmem:s26], [sflag:$0x1] =	stream.indirect_vreg.gather [hbm4b:s4+s3], $0x80, v3, vm0, $0xb8;
	[tilespmem:$0x10200] =	vst v63  }
0x12e: {  	v3 =	vld [tilespmem:$0x120];
	_ =	sdelay $0x4  }
0x12f: {  	v50 =	vshll.u32 v3, $0x2  }
0x130: {  	v3 =	vand.u32 $0x7, v3;
	v4 =	vand.u32 $0xFFFFFFE0, v50  }
0x131: {  	v3 =	vor.u32 v3, v4  }
0x132: {  	v4 =	vperm.xlane v3, v0;
	_ =	sdelay $0x1  }
0x133: {  	v4 =	vadd.s32 v1, v4;
	_ =	sdelay $0x1  }
0x134: {  	v3 =	vperm.xlane v3, v2;
	_ =	sdelay $0x1  }
0x135: {  	s16 =	simm.s32 $0x4200;
	v3 =	vadd.s32 v1, v3  }
0x136: {  	[tilespmem:s16], [sflag:$0x1] =	stream.indirect_vreg.gather [hbm4b:s1+s3], $0x80, v4, vm0, $0xb8;
	[tilespmem:$0x10200] =	vst v63  }
0x137: {  	_ = 	snop  }
0x138: {  	[tilespmem:s24], [sflag:$0x1] =	stream.indirect_vreg.gather [hbm4b:s4+s3], $0x80, v4, vm0, $0xb8;
	[tilespmem:$0x10200] =	vst v63  }
0x139: {  	_ = 	snop  }
0x13a: {  	[tilespmem:s12], [sflag:$0x1] =	stream.indirect_vreg.gather [hbm4b:s1+s3], $0x80, v3, vm0, $0xb8;
	[tilespmem:$0x10200] =	vst v63  }
0x13b: {  	_ = 	snop  }
0x13c: {  	[tilespmem:s13], [sflag:$0x1] =	stream.indirect_vreg.gather [hbm4b:s4+s3], $0x80, v3, vm0, $0xb8;
	[tilespmem:$0x10200] =	vst v63  }
0x13d: {  	v3 =	vld [tilespmem:$0x130];
	_ =	sdelay $0x4  }
0x13e: {  	v51 =	vshll.u32 v3, $0x2  }
0x13f: {  	v3 =	vand.u32 $0x7, v3;
	v4 =	vand.u32 $0xFFFFFFE0, v51  }
0x140: {  	v3 =	vor.u32 v3, v4  }
0x141: {  	v4 =	vperm.xlane v3, v0;
	_ =	sdelay $0x1  }
0x142: {  	v4 =	vadd.s32 v1, v4;
	_ =	sdelay $0x1  }
0x143: {  	v3 =	vperm.xlane v3, v2;
	_ =	sdelay $0x1  }
0x144: {  	v3 =	vadd.s32 v1, v3  }
0x145: {  	[tilespmem:s17], [sflag:$0x1] =	stream.indirect_vreg.gather [hbm4b:s1+s3], $0x80, v4, vm0, $0xb8;
	[tilespmem:$0x10200] =	vst v63  }
0x146: {  	_ = 	snop  }
0x147: {  	[tilespmem:s18], [sflag:$0x1] =	stream.indirect_vreg.gather [hbm4b:s4+s3], $0x80, v4, vm0, $0xb8;
	[tilespmem:$0x10200] =	vst v63  }
0x148: {  	_ = 	snop  }
0x149: {  	[tilespmem:s19], [sflag:$0x1] =	stream.indirect_vreg.gather [hbm4b:s1+s3], $0x80, v3, vm0, $0xb8;
	[tilespmem:$0x10200] =	vst v63  }
0x14a: {  	_ = 	snop  }
0x14b: {  	[tilespmem:s20], [sflag:$0x1] =	stream.indirect_vreg.gather [hbm4b:s4+s3], $0x80, v3, vm0, $0xb8;
	[tilespmem:$0x10200] =	vst v63  }
0x14c: {  	v3 =	vld [tilespmem:$0x140];
	_ =	sdelay $0x4  }
0x14d: {  	v52 =	vshll.u32 v3, $0x2  }
0x14e: {  	v3 =	vand.u32 $0x7, v3;
	v4 =	vand.u32 $0xFFFFFFE0, v52  }
0x14f: {  	v3 =	vor.u32 v3, v4  }
0x150: {  	v4 =	vperm.xlane v3, v0;
	_ =	sdelay $0x1  }
0x151: {  	v4 =	vadd.s32 v1, v4;
	_ =	sdelay $0x1  }
0x152: {  	v3 =	vperm.xlane v3, v2;
	_ =	sdelay $0x1  }
0x153: {  	v3 =	vadd.s32 v1, v3  }
0x154: {  	[tilespmem:s2], [sflag:$0x1] =	stream.indirect_vreg.gather [hbm4b:s1+s3], $0x80, v4, vm0, $0xb8;
	[tilespmem:$0x10200] =	vst v63  }
0x155: {  	_ = 	snop  }
0x156: {  	[tilespmem:s0], [sflag:$0x1] =	stream.indirect_vreg.gather [hbm4b:s4+s3], $0x80, v4, vm0, $0xb8;
	[tilespmem:$0x10200] =	vst v63  }
0x157: {  	_ = 	snop  }
0x158: {  	[tilespmem:s7], [sflag:$0x1] =	stream.indirect_vreg.gather [hbm4b:s1+s3], $0x80, v3, vm0, $0xb8;
	[tilespmem:$0x10200] =	vst v63  }
0x159: {  	_ = 	snop  }
0x15a: {  	[tilespmem:s11], [sflag:$0x1] =	stream.indirect_vreg.gather [hbm4b:s4+s3], $0x80, v3, vm0, $0xb8;
	[tilespmem:$0x10200] =	vst v63  }
0x15b: {  	v3 =	vld [tilespmem:$0x150];
	_ =	sdelay $0x4  }
0x15c: {  	v53 =	vshll.u32 v3, $0x2  }
0x15d: {  	v3 =	vand.u32 $0x7, v3;
	v4 =	vand.u32 $0xFFFFFFE0, v53  }
0x15e: {  	v3 =	vor.u32 v3, v4  }
0x15f: {  	v4 =	vperm.xlane v3, v0;
	_ =	sdelay $0x1  }
0x160: {  	v4 =	vadd.s32 v1, v4;
	_ =	sdelay $0x1  }
0x161: {  	v3 =	vperm.xlane v3, v2;
	_ =	sdelay $0x1  }
0x162: {  	v3 =	vadd.s32 v1, v3  }
0x163: {  	[tilespmem:s8], [sflag:$0x1] =	stream.indirect_vreg.gather [hbm4b:s1+s3], $0x80, v4, vm0, $0xb8;
	[tilespmem:$0x10200] =	vst v63  }
0x164: {  	_ = 	snop  }
0x165: {  	[tilespmem:s9], [sflag:$0x1] =	stream.indirect_vreg.gather [hbm4b:s4+s3], $0x80, v4, vm0, $0xb8;
	[tilespmem:$0x10200] =	vst v63  }
0x166: {  	_ = 	snop  }
0x167: {  	[tilespmem:s10], [sflag:$0x1] =	stream.indirect_vreg.gather [hbm4b:s1+s3], $0x80, v3, vm0, $0xb8;
	[tilespmem:$0x10200] =	vst v63  }
0x168: {  	s26 =	simm.s32 $0xBA00  }
0x169: {  	[tilespmem:s26], [sflag:$0x1] =	stream.indirect_vreg.gather [hbm4b:s4+s3], $0x80, v3, vm0, $0xb8;
	[tilespmem:$0x10200] =	vst v63  }
0x16a: {  	v3 =	vld [tilespmem:$0x160];
	_ =	sdelay $0x4  }
0x16b: {  	v54 =	vshll.u32 v3, $0x2  }
0x16c: {  	v3 =	vand.u32 $0x7, v3;
	v4 =	vand.u32 $0xFFFFFFE0, v54  }
0x16d: {  	v3 =	vor.u32 v3, v4  }
0x16e: {  	v4 =	vperm.xlane v3, v0;
	_ =	sdelay $0x1  }
0x16f: {  	v4 =	vadd.s32 v1, v4;
	_ =	sdelay $0x1  }
0x170: {  	v3 =	vperm.xlane v3, v2;
	_ =	sdelay $0x1  }
0x171: {  	s31 =	simm.s32 $0xC200;
	v3 =	vadd.s32 v1, v3  }
0x172: {  	[tilespmem:s31], [sflag:$0x1] =	stream.indirect_vreg.gather [hbm4b:s1+s3], $0x80, v4, vm0, $0xb8;
	[tilespmem:$0x10200] =	vst v63  }
0x173: {  	s24 =	simm.s32 $0xCA00  }
0x174: {  	[tilespmem:s24], [sflag:$0x1] =	stream.indirect_vreg.gather [hbm4b:s4+s3], $0x80, v4, vm0, $0xb8;
	[tilespmem:$0x10200] =	vst v63  }
0x175: {  	s23 =	simm.s32 $0xD200  }
0x176: {  	[tilespmem:s23], [sflag:$0x1] =	stream.indirect_vreg.gather [hbm4b:s1+s3], $0x80, v3, vm0, $0xb8;
	[tilespmem:$0x10200] =	vst v63  }
0x177: {  	s26 =	simm.s32 $0xDA00  }
0x178: {  	[tilespmem:s26], [sflag:$0x1] =	stream.indirect_vreg.gather [hbm4b:s4+s3], $0x80, v3, vm0, $0xb8;
	[tilespmem:$0x10200] =	vst v63  }
0x179: {  	v3 =	vld [tilespmem:$0x170];
	_ =	sdelay $0x4  }
0x17a: {  	v55 =	vshll.u32 v3, $0x2  }
0x17b: {  	v3 =	vand.u32 $0x7, v3;
	v4 =	vand.u32 $0xFFFFFFE0, v55  }
0x17c: {  	v3 =	vor.u32 v3, v4  }
0x17d: {  	v4 =	vperm.xlane v3, v0;
	_ =	sdelay $0x1  }
0x17e: {  	v4 =	vadd.s32 v1, v4;
	_ =	sdelay $0x1  }
0x17f: {  	v3 =	vperm.xlane v3, v2;
	_ =	sdelay $0x1  }
0x180: {  	s28 =	simm.s32 $0xE200;
	v3 =	vadd.s32 v1, v3  }
0x181: {  	[tilespmem:s28], [sflag:$0x1] =	stream.indirect_vreg.gather [hbm4b:s1+s3], $0x80, v4, vm0, $0xb8;
	[tilespmem:$0x10200] =	vst v63  }
0x182: {  	s29 =	simm.s32 $0xEA00  }
0x183: {  	[tilespmem:s29], [sflag:$0x1] =	stream.indirect_vreg.gather [hbm4b:s4+s3], $0x80, v4, vm0, $0xb8;
	[tilespmem:$0x10200] =	vst v63  }
0x184: {  	s30 =	simm.s32 $0xF200  }
0x185: {  	[tilespmem:s30], [sflag:$0x1] =	stream.indirect_vreg.gather [hbm4b:s1+s3], $0x80, v3, vm0, $0xb8;
	[tilespmem:$0x10200] =	vst v63  }
0x186: {  	s29 =	simm.s32 $0xFA00  }
0x187: {  	[tilespmem:s29], [sflag:$0x1] =	stream.indirect_vreg.gather [hbm4b:s4+s3], $0x80, v3, vm0, $0xb8;
	[tilespmem:$0x10200] =	vst v63  }
0x188: {  	_ =	swait.ge [sflag:s14], $0x10000  }
0x189: {  	[sflag:s14] =	ssyncset.done $0x0  }
0x18a: {  	s30 =	rddreg [dreg:$0x7];
	[sflag:s14] =	ssyncadd.s32 $0xFFFF0000  }
0x18b: {  	[hbm4b:s30+s3] =	stream.linear.scatter [tilespmem:s25], [sflag:$0x2], $0x10000, $0x38;
	[tilespmem:$0x10200] =	vst v63  }
0x18c: {  	_ =	swait.ge [sflag:s6], $0x10000  }
0x18d: {  	[sflag:s6] =	ssyncset.done $0x0  }
0x18e: {  	[sflag:s6] =	ssyncadd.s32 $0xFFFF0000  }
0x18f: {  	v3 =	vld [tilespmem:$0x180];
	_ =	sdelay $0x4  }
0x190: {  	v56 =	vshll.u32 v3, $0x2  }
0x191: {  	v3 =	vand.u32 $0x7, v3;
	v4 =	vand.u32 $0xFFFFFFE0, v56  }
0x192: {  	v3 =	vor.u32 v3, v4  }
0x193: {  	v4 =	vperm.xlane v3, v0;
	_ =	sdelay $0x1  }
0x194: {  	v4 =	vadd.s32 v1, v4;
	_ =	sdelay $0x1  }
0x195: {  	v3 =	vperm.xlane v3, v2;
	_ =	sdelay $0x1  }
0x196: {  	v3 =	vadd.s32 v1, v3  }
0x197: {  	[tilespmem:s25], [sflag:$0x1] =	stream.indirect_vreg.gather [hbm4b:s1+s3], $0x80, v4, vm0, $0xb8;
	[tilespmem:$0x10200] =	vst v63  }
0x198: {  	s22 =	simm.s32 $0xA00  }
0x199: {  	[tilespmem:s22], [sflag:$0x1] =	stream.indirect_vreg.gather [hbm4b:s4+s3], $0x80, v4, vm0, $0xb8;
	[tilespmem:$0x10200] =	vst v63  }
0x19a: {  	s30 =	simm.s32 $0x1200  }
0x19b: {  	[tilespmem:s30], [sflag:$0x1] =	stream.indirect_vreg.gather [hbm4b:s1+s3], $0x80, v3, vm0, $0xb8;
	[tilespmem:$0x10200] =	vst v63  }
0x19c: {  	s21 =	simm.s32 $0x1A00  }
0x19d: {  	[tilespmem:s21], [sflag:$0x1] =	stream.indirect_vreg.gather [hbm4b:s4+s3], $0x80, v3, vm0, $0xb8;
	[tilespmem:$0x10200] =	vst v63  }
0x19e: {  	v3 =	vld [tilespmem:$0x190];
	_ =	sdelay $0x4  }
0x19f: {  	v57 =	vshll.u32 v3, $0x2  }
0x1a0: {  	v3 =	vand.u32 $0x7, v3;
	v4 =	vand.u32 $0xFFFFFFE0, v57  }
0x1a1: {  	v3 =	vor.u32 v3, v4  }
0x1a2: {  	v4 =	vperm.xlane v3, v0;
	_ =	sdelay $0x1  }
0x1a3: {  	v4 =	vadd.s32 v1, v4;
	_ =	sdelay $0x1  }
0x1a4: {  	v3 =	vperm.xlane v3, v2;
	_ =	sdelay $0x1  }
0x1a5: {  	s22 =	simm.s32 $0x2200;
	v3 =	vadd.s32 v1, v3  }
0x1a6: {  	[tilespmem:s22], [sflag:$0x1] =	stream.indirect_vreg.gather [hbm4b:s1+s3], $0x80, v4, vm0, $0xb8;
	[tilespmem:$0x10200] =	vst v63  }
0x1a7: {  	s30 =	simm.s32 $0x2A00  }
0x1a8: {  	[tilespmem:s30], [sflag:$0x1] =	stream.indirect_vreg.gather [hbm4b:s4+s3], $0x80, v4, vm0, $0xb8;
	[tilespmem:$0x10200] =	vst v63  }
0x1a9: {  	s21 =	simm.s32 $0x3200  }
0x1aa: {  	[tilespmem:s21], [sflag:$0x1] =	stream.indirect_vreg.gather [hbm4b:s1+s3], $0x80, v3, vm0, $0xb8;
	[tilespmem:$0x10200] =	vst v63  }
0x1ab: {  	s22 =	simm.s32 $0x3A00  }
0x1ac: {  	[tilespmem:s22], [sflag:$0x1] =	stream.indirect_vreg.gather [hbm4b:s4+s3], $0x80, v3, vm0, $0xb8;
	[tilespmem:$0x10200] =	vst v63  }
0x1ad: {  	v3 =	vld [tilespmem:$0x1A0];
	_ =	sdelay $0x4  }
0x1ae: {  	v58 =	vshll.u32 v3, $0x2  }
0x1af: {  	v3 =	vand.u32 $0x7, v3;
	v4 =	vand.u32 $0xFFFFFFE0, v58  }
0x1b0: {  	v3 =	vor.u32 v3, v4  }
0x1b1: {  	v4 =	vperm.xlane v3, v0;
	_ =	sdelay $0x1  }
0x1b2: {  	v4 =	vadd.s32 v1, v4;
	_ =	sdelay $0x1  }
0x1b3: {  	v3 =	vperm.xlane v3, v2;
	_ =	sdelay $0x1  }
0x1b4: {  	s30 =	simm.s32 $0x4200;
	v3 =	vadd.s32 v1, v3  }
0x1b5: {  	[tilespmem:s30], [sflag:$0x1] =	stream.indirect_vreg.gather [hbm4b:s1+s3], $0x80, v4, vm0, $0xb8;
	[tilespmem:$0x10200] =	vst v63  }
0x1b6: {  	s16 =	simm.s32 $0x4A00  }
0x1b7: {  	[tilespmem:s16], [sflag:$0x1] =	stream.indirect_vreg.gather [hbm4b:s4+s3], $0x80, v4, vm0, $0xb8;
	[tilespmem:$0x10200] =	vst v63  }
0x1b8: {  	s12 =	simm.s32 $0x5200  }
0x1b9: {  	[tilespmem:s12], [sflag:$0x1] =	stream.indirect_vreg.gather [hbm4b:s1+s3], $0x80, v3, vm0, $0xb8;
	[tilespmem:$0x10200] =	vst v63  }
0x1ba: {  	s13 =	simm.s32 $0x5A00  }
0x1bb: {  	[tilespmem:s13], [sflag:$0x1] =	stream.indirect_vreg.gather [hbm4b:s4+s3], $0x80, v3, vm0, $0xb8;
	[tilespmem:$0x10200] =	vst v63  }
0x1bc: {  	v3 =	vld [tilespmem:$0x1B0];
	_ =	sdelay $0x4  }
0x1bd: {  	v59 =	vshll.u32 v3, $0x2  }
0x1be: {  	v3 =	vand.u32 $0x7, v3;
	v4 =	vand.u32 $0xFFFFFFE0, v59  }
0x1bf: {  	v3 =	vor.u32 v3, v4  }
0x1c0: {  	v4 =	vperm.xlane v3, v0;
	_ =	sdelay $0x1  }
0x1c1: {  	v4 =	vadd.s32 v1, v4;
	_ =	sdelay $0x1  }
0x1c2: {  	v3 =	vperm.xlane v3, v2;
	_ =	sdelay $0x1  }
0x1c3: {  	s17 =	simm.s32 $0x6200;
	v3 =	vadd.s32 v1, v3  }
0x1c4: {  	[tilespmem:s17], [sflag:$0x1] =	stream.indirect_vreg.gather [hbm4b:s1+s3], $0x80, v4, vm0, $0xb8;
	[tilespmem:$0x10200] =	vst v63  }
0x1c5: {  	s18 =	simm.s32 $0x6A00  }
0x1c6: {  	[tilespmem:s18], [sflag:$0x1] =	stream.indirect_vreg.gather [hbm4b:s4+s3], $0x80, v4, vm0, $0xb8;
	[tilespmem:$0x10200] =	vst v63  }
0x1c7: {  	s19 =	simm.s32 $0x7200  }
0x1c8: {  	[tilespmem:s19], [sflag:$0x1] =	stream.indirect_vreg.gather [hbm4b:s1+s3], $0x80, v3, vm0, $0xb8;
	[tilespmem:$0x10200] =	vst v63  }
0x1c9: {  	s20 =	simm.s32 $0x7A00  }
0x1ca: {  	[tilespmem:s20], [sflag:$0x1] =	stream.indirect_vreg.gather [hbm4b:s4+s3], $0x80, v3, vm0, $0xb8;
	[tilespmem:$0x10200] =	vst v63  }
0x1cb: {  	v3 =	vld [tilespmem:$0x1C0];
	_ =	sdelay $0x4  }
0x1cc: {  	v60 =	vshll.u32 v3, $0x2  }
0x1cd: {  	v3 =	vand.u32 $0x7, v3;
	v4 =	vand.u32 $0xFFFFFFE0, v60  }
0x1ce: {  	v3 =	vor.u32 v3, v4  }
0x1cf: {  	v4 =	vperm.xlane v3, v0;
	_ =	sdelay $0x1  }
0x1d0: {  	v4 =	vadd.s32 v1, v4;
	_ =	sdelay $0x1  }
0x1d1: {  	v3 =	vperm.xlane v3, v2;
	_ =	sdelay $0x1  }
0x1d2: {  	s2 =	simm.s32 $0x8200;
	v3 =	vadd.s32 v1, v3  }
0x1d3: {  	[tilespmem:s2], [sflag:$0x1] =	stream.indirect_vreg.gather [hbm4b:s1+s3], $0x80, v4, vm0, $0xb8;
	[tilespmem:$0x10200] =	vst v63  }
0x1d4: {  	s0 =	simm.s32 $0x8A00  }
0x1d5: {  	[tilespmem:s0], [sflag:$0x1] =	stream.indirect_vreg.gather [hbm4b:s4+s3], $0x80, v4, vm0, $0xb8;
	[tilespmem:$0x10200] =	vst v63  }
0x1d6: {  	s7 =	simm.s32 $0x9200  }
0x1d7: {  	[tilespmem:s7], [sflag:$0x1] =	stream.indirect_vreg.gather [hbm4b:s1+s3], $0x80, v3, vm0, $0xb8;
	[tilespmem:$0x10200] =	vst v63  }
0x1d8: {  	s11 =	simm.s32 $0x9A00  }
0x1d9: {  	[tilespmem:s11], [sflag:$0x1] =	stream.indirect_vreg.gather [hbm4b:s4+s3], $0x80, v3, vm0, $0xb8;
	[tilespmem:$0x10200] =	vst v63  }
0x1da: {  	v3 =	vld [tilespmem:$0x1D0];
	_ =	sdelay $0x4  }
0x1db: {  	v61 =	vshll.u32 v3, $0x2  }
0x1dc: {  	v3 =	vand.u32 $0x7, v3;
	v4 =	vand.u32 $0xFFFFFFE0, v61  }
0x1dd: {  	v3 =	vor.u32 v3, v4  }
0x1de: {  	v4 =	vperm.xlane v3, v0;
	_ =	sdelay $0x1  }
0x1df: {  	v4 =	vadd.s32 v1, v4;
	_ =	sdelay $0x1  }
0x1e0: {  	v3 =	vperm.xlane v3, v2;
	_ =	sdelay $0x1  }
0x1e1: {  	s8 =	simm.s32 $0xA200;
	v3 =	vadd.s32 v1, v3  }
0x1e2: {  	[tilespmem:s8], [sflag:$0x1] =	stream.indirect_vreg.gather [hbm4b:s1+s3], $0x80, v4, vm0, $0xb8;
	[tilespmem:$0x10200] =	vst v63  }
0x1e3: {  	s9 =	simm.s32 $0xAA00  }
0x1e4: {  	[tilespmem:s9], [sflag:$0x1] =	stream.indirect_vreg.gather [hbm4b:s4+s3], $0x80, v4, vm0, $0xb8;
	[tilespmem:$0x10200] =	vst v63  }
0x1e5: {  	s10 =	simm.s32 $0xB200  }
0x1e6: {  	[tilespmem:s10], [sflag:$0x1] =	stream.indirect_vreg.gather [hbm4b:s1+s3], $0x80, v3, vm0, $0xb8;
	[tilespmem:$0x10200] =	vst v63  }
0x1e7: {  	s21 =	simm.s32 $0xBA00  }
0x1e8: {  	[tilespmem:s21], [sflag:$0x1] =	stream.indirect_vreg.gather [hbm4b:s4+s3], $0x80, v3, vm0, $0xb8;
	[tilespmem:$0x10200] =	vst v63  }
0x1e9: {  	v3 =	vld [tilespmem:$0x1E0];
	_ =	sdelay $0x4  }
0x1ea: {  	v62 =	vshll.u32 v3, $0x2  }
0x1eb: {  	v3 =	vand.u32 $0x7, v3;
	v4 =	vand.u32 $0xFFFFFFE0, v62  }
0x1ec: {  	v3 =	vor.u32 v3, v4  }
0x1ed: {  	v4 =	vperm.xlane v3, v0;
	_ =	sdelay $0x1  }
0x1ee: {  	v4 =	vadd.s32 v1, v4;
	_ =	sdelay $0x1  }
0x1ef: {  	v3 =	vperm.xlane v3, v2;
	_ =	sdelay $0x1  }
0x1f0: {  	s31 =	simm.s32 $0xC200;
	v3 =	vadd.s32 v1, v3  }
0x1f1: {  	[tilespmem:s31], [sflag:$0x1] =	stream.indirect_vreg.gather [hbm4b:s1+s3], $0x80, v4, vm0, $0xb8;
	[tilespmem:$0x10200] =	vst v63  }
0x1f2: {  	s22 =	simm.s32 $0xCA00  }
0x1f3: {  	[tilespmem:s22], [sflag:$0x1] =	stream.indirect_vreg.gather [hbm4b:s4+s3], $0x80, v4, vm0, $0xb8;
	[tilespmem:$0x10200] =	vst v63  }
0x1f4: {  	s24 =	simm.s32 $0xD200  }
0x1f5: {  	[tilespmem:s24], [sflag:$0x1] =	stream.indirect_vreg.gather [hbm4b:s1+s3], $0x80, v3, vm0, $0xb8;
	[tilespmem:$0x10200] =	vst v63  }
0x1f6: {  	s30 =	simm.s32 $0xDA00  }
0x1f7: {  	[tilespmem:s30], [sflag:$0x1] =	stream.indirect_vreg.gather [hbm4b:s4+s3], $0x80, v3, vm0, $0xb8;
	[tilespmem:$0x10200] =	vst v63  }
0x1f8: {  	v3 =	vld [tilespmem:$0x1F0];
	_ =	sdelay $0x4  }
0x1f9: {  	v63 =	vshll.u32 v3, $0x2  }
0x1fa: {  	v3 =	vand.u32 $0x7, v3;
	v4 =	vand.u32 $0xFFFFFFE0, v63  }
0x1fb: {  	v3 =	vor.u32 v3, v4  }
0x1fc: {  	v4 =	vperm.xlane v3, v0;
	_ =	sdelay $0x1  }
0x1fd: {  	v4 =	vadd.s32 v1, v4;
	_ =	sdelay $0x1  }
0x1fe: {  	v3 =	vperm.xlane v3, v2;
	_ =	sdelay $0x1  }
0x1ff: {  	s23 =	simm.s32 $0xE200;
	v3 =	vadd.s32 v1, v3  }
0x200: {  	[tilespmem:s23], [sflag:$0x1] =	stream.indirect_vreg.gather [hbm4b:s1+s3], $0x80, v4, vm0, $0xb8;
	[tilespmem:$0x10200] =	vst v63  }
0x201: {  	s26 =	simm.s32 $0xEA00  }
0x202: {  	[tilespmem:s26], [sflag:$0x1] =	stream.indirect_vreg.gather [hbm4b:s4+s3], $0x80, v4, vm0, $0xb8;
	[tilespmem:$0x10200] =	vst v63  }
0x203: {  	s28 =	simm.s32 $0xF200  }
0x204: {  	[tilespmem:s28], [sflag:$0x1] =	stream.indirect_vreg.gather [hbm4b:s1+s3], $0x80, v3, vm0, $0xb8;
	[tilespmem:$0x10200] =	vst v63  }
0x205: {  	s29 =	simm.s32 $0xFA00  }
0x206: {  	[tilespmem:s29], [sflag:$0x1] =	stream.indirect_vreg.gather [hbm4b:s4+s3], $0x80, v3, vm0, $0xb8;
	[tilespmem:$0x10200] =	vst v63  }
0x207: {  	_ =	swait.ge [sflag:s14], $0x10000  }
0x208: {  	p0 =	sne.s32 s5, $0x1;
	[sflag:s14] =	ssyncset.done $0x0  }
.Ltmp0:
0x209: {  	s31 =	rddreg [dreg:$0x8];
	[sflag:s14] =	ssyncadd.s32 $0xFFFF0000;
	(pc) =	sbr.rel @p0 .LBB2_1-.Ltmp0, $4  }
0x20a: {  	[hbm4b:s31+s3] =	stream.linear.scatter [tilespmem:s25], [sflag:$0x2], $0x10000, $0x38;
	[tilespmem:$0x10200] =	vst v63  }
0x20b: {  	_ =	swait.ge [sflag:s6], $0x10000  }
0x20c: {  	[sflag:s6] =	ssyncset.done $0x0  }
0x20d: {  	s5 =	sadd.s32 $0xFFFFFFFF, s5;
	[sflag:s6] =	ssyncadd.s32 $0xFFFF0000  }
0x20e: {  	_ =	sfence.sel $0x180000  }
0x20f: {  	[bflag:$0x0] =	sbarrier.arrive $0xFFFF  }
0x210: {  	_ =	strace $0x90000047  }
0x211: {  	s0 =	stileid.u32;
	[bflag:$0x2] =	sbarrier.arrive $0xFFFF  }
0x212: {  	p0 =	sne.s32 s0, $0x0;
	s0 =	rddreg [dreg:$0x3]  }
0x213: {  	s0 =	sadd.s32 @!p0 $0x100000, s0  }
0x214: {  	[sflag:s0] =	ssyncadd.tile.s32 @!p0 $0x1;
	_ =	shalt  }
.Lfunc_end2:
_tile_overlayer_lowered:
.L_overlay_start_2:
0x215: {  	(tag) =	ssettag $0x2  }
0x216: {  	s0 =	rddreg [dreg:$0x0];
	s2 =	stileid.u32  }
0x217: {  	s1 =	rddreg [dreg:$0x1];
	p0 =	sne.s32 s2, $0x0  }
0x218: {  	s3 =	rddreg [dreg:$0x2];
	[bflag:$0x3] =	sbarrier.arrive $0xFFFF;
	s2 =	simm.s32 @!p0 $0x1C02  }
0x219: {  	[timem:s3], [sflag:s2] =	dma.local @!p0 [hbm:s0], s1  }
0x21a: {  	s0 =	simm.s32 @!p0 $0x2  }
0x21b: {  	_ =	swait.ge @!p0 [sflag:s0], s1  }
0x21c: {  	s1 =	ssub.s32 @!p0 $0x0, s1;
	[sflag:s0] =	ssyncset.done @!p0 $0x0  }
0x21d: {  	[sflag:s0] =	ssyncadd.s32 @!p0 s1  }
0x21e: {  	[bflag:$0x3] =	sbarrier.arrive $0xFFFF  }
0x21f: {  	_ =	shalt  }

</sc_bundles>
